<compile_context>
chip_gen: v7x
topology: tpu7x:2x2x1
jax: 0.10.2.dev20260603
libtpu: 0.0.44.dev20260713+nightly
codegen_flags: <defaults>
</compile_context>

<pallas_src>
import functools

import jax
import jax.numpy as jnp
from jax import lax
from jax.experimental import pallas as pl
from jax.experimental.pallas import tpu as pltpu
from jax.experimental.pallas import tpu_sc as plsc

N = 10000
E = 320000
D = 128

NC = 2
NS = 16
CHUNK = 100
NCHUNK = 100
EDGES_PER_TILE = NCHUNK * CHUNK
GC = 20
NGROUPS = NCHUNK // GC
NP = 10240
ROWS_PER_TILE = NP // NS


def _softmax_body(x_ref, o_ref):
    x = x_ref[...]
    m = jnp.max(x, axis=-1, keepdims=True)
    e = jnp.exp(x - m)
    o_ref[...] = e / jnp.sum(e, axis=-1, keepdims=True)


def _softmax(x):
    br = 2000
    return pl.pallas_call(
        _softmax_body,
        grid=(N // br,),
        in_specs=[pl.BlockSpec((br, D), lambda i: (i, 0))],
        out_specs=pl.BlockSpec((br, D), lambda i: (i, 0)),
        out_shape=jax.ShapeDtypeStruct((N, D), jnp.float32),
    )(x)


def _sc_segment_sum(p, src_r, dst_r, zeros):
    mesh = plsc.VectorSubcoreMesh(core_axis_name="c", subcore_axis_name="s")

    @functools.partial(
        pl.kernel,
        out_type=jax.ShapeDtypeStruct((NC, NP, D), jnp.float32),
        mesh=mesh,
        scratch_types=[
            pltpu.VMEM((GC, CHUNK), jnp.int32),
            pltpu.VMEM((GC, CHUNK), jnp.int32),
            pltpu.VMEM((3, CHUNK, D), jnp.float32),
            pltpu.VMEM_SHARED((NP, D), jnp.float32),
            pltpu.SemaphoreType.DMA,
        ],
    )
    def k(p_hbm, src_hbm, dst_hbm, z_hbm, out_hbm, src_g, dst_g, rows_v,
          acc_sh, sem):
        c = lax.axis_index("c")
        s = lax.axis_index("s")
        r0 = s * ROWS_PER_TILE
        pltpu.sync_copy(z_hbm, acc_sh.at[pl.ds(r0, ROWS_PER_TILE)])
        plsc.subcore_barrier()

        for g in range(NGROUPS):
            pltpu.sync_copy(src_hbm.at[c, s, g], src_g)
            pltpu.sync_copy(dst_hbm.at[c, s, g], dst_g)

            pltpu.async_copy(p_hbm.at[src_g.at[0]], rows_v.at[0], sem)
            pltpu.async_copy(p_hbm.at[src_g.at[1]], rows_v.at[1], sem)

            @pl.loop(0, GC)
            def _(i):
                b = lax.rem(i, 3)
                pltpu.make_async_copy(p_hbm.at[src_g.at[i]], rows_v.at[b],
                                      sem).wait()

                @pl.when(i + 2 < GC)
                def _():
                    pltpu.async_copy(p_hbm.at[src_g.at[i + 2]],
                                     rows_v.at[lax.rem(i + 2, 3)], sem)

                pltpu.sync_copy(rows_v.at[b], acc_sh.at[dst_g.at[i]],
                                add=True)

        plsc.subcore_barrier()
        pltpu.sync_copy(acc_sh.at[pl.ds(r0, ROWS_PER_TILE)],
                        out_hbm.at[c, pl.ds(r0, ROWS_PER_TILE)])

    return k(p, src_r, dst_r, zeros)


def _mm_body(g_ref, wp_ref, wn_ref, o_ref):
    w_eff = wp_ref[...] - jax.nn.softplus(wn_ref[...])
    g = g_ref[0] + g_ref[1]
    o_ref[...] = jnp.dot(g, w_eff, preferred_element_type=jnp.float32)


def _combine_matmul(g, w_pos, w_neg_raw):
    br = 2048
    return pl.pallas_call(
        _mm_body,
        grid=(NP // br,),
        in_specs=[
            pl.BlockSpec((NC, br, D), lambda i: (0, i, 0)),
            pl.BlockSpec((D, D), lambda i: (0, 0)),
            pl.BlockSpec((D, D), lambda i: (0, 0)),
        ],
        out_specs=pl.BlockSpec((br, D), lambda i: (i, 0)),
        out_shape=jax.ShapeDtypeStruct((NP, D), jnp.float32),
    )(g, w_pos, w_neg_raw)


@jax.jit
def kernel(x_src, edge_index, frozen_src, W_pos, W_neg_raw):
    del frozen_src
    p = _softmax(x_src)
    nw = NC * NS
    real = E // nw
    pad = EDGES_PER_TILE - real
    src_r = jnp.concatenate(
        [edge_index[0].reshape(nw, real),
         jnp.zeros((nw, pad), jnp.int32)], axis=1,
    ).reshape(NC, NS, NGROUPS, GC, CHUNK)
    sink = N + jnp.arange(nw, dtype=jnp.int32)[:, None]
    dst_r = jnp.concatenate(
        [edge_index[1].reshape(nw, real),
         jnp.broadcast_to(sink, (nw, pad)).astype(jnp.int32)], axis=1,
    ).reshape(NC, NS, NGROUPS, GC, CHUNK)
    zeros = jnp.zeros((ROWS_PER_TILE, D), dtype=jnp.float32)
    g = _sc_segment_sum(p, src_r, dst_r, zeros)
    return _combine_matmul(g, W_pos, W_neg_raw)[:N]

# --- scband reference (transcript-rebuilt; emitter-appended) ---
"""Pipeline reference for scband-hetero-message-passing-bank-7258494730302 (READ-ONLY COPY).

The authoritative reference and input builder live on the scoring server;
editing this copy changes nothing except your own understanding.
"""

import jax, jax.numpy as jnp
import numpy as np

N = 10000
E = 320000
D_SRC = 128
D_DST = 128

def setup_inputs(seed: int = 0) -> dict:
    key = jax.random.key(seed)
    k1, k2, k3 = jax.random.split(key, 3)
    x_src = jax.random.normal(k1, (N, D_SRC), dtype=jnp.float32)
    edge_index = jax.random.randint(k2, (2, E), 0, N, dtype=jnp.int32)
    frozen_src = jnp.zeros((N,), dtype=jnp.bool_)
    # Learned params of LogitMessagePassing(src_dim=128, dst_dim=128)
    limit = float(np.sqrt(6.0 / (D_SRC + D_DST)))  # xavier_uniform
    W_pos = jax.random.uniform(k3, (D_SRC, D_DST), dtype=jnp.float32, minval=-limit, maxval=limit)
    W_neg_raw = jnp.zeros((D_SRC, D_DST), dtype=jnp.float32)
    return {"x_src": x_src, "edge_index": edge_index, "frozen_src": frozen_src, "W_pos": W_pos, "W_neg_raw": W_neg_raw}

def reference(x_src, edge_index, frozen_src, W_pos, W_neg_raw):
    # HeteroMessagePassingBank.forward with a single edge type spec
    # (node, links, node): src and dst are the same node set of size N.
    p_src = jax.nn.softmax(x_src, axis=-1)
    src = edge_index[0]
    dst = edge_index[1]
    # message(): x_j @ W_pos - x_j @ softplus(W_neg_raw)
    x_j = jnp.take(p_src, src, axis=0)  # gather [E, D_SRC]
    W_neg = jax.nn.softplus(W_neg_raw)
    msg = x_j @ W_pos - x_j @ W_neg  # [E, D_DST]
    # aggr='add' scatter to dst nodes
    n_dst = x_src.shape[0]
    delta = jax.ops.segment_sum(msg, dst, num_segments=n_dst)  # [N, D_DST]
    return delta

if __name__ == "__main__":
    import jax
    _d = setup_inputs()
    print(jax.jit(kernel)(*tuple(_d.values())))

</pallas_src>

<mosaic_0001>
#map = affine_map<(d0, d1) -> (0, 0)>
#map1 = affine_map<(d0, d1) -> (0, 0, 0, 0, 0)>
#map2 = affine_map<(d0, d1) -> (0, 0, 0)>
module attributes {stable_mosaic.version = 14 : i64} {
  func.func @k(%arg0: i32, %arg1: i32, %arg2: memref<10000x128xf32, #tpu.memory_space<hbm>>, %arg3: memref<2x16x5x20x100xi32, #tpu.memory_space<hbm>>, %arg4: memref<2x16x5x20x100xi32, #tpu.memory_space<hbm>>, %arg5: memref<640x128xf32, #tpu.memory_space<hbm>>, %arg6: memref<2x10240x128xf32, #tpu.memory_space<hbm>>, %arg7: memref<20x100xi32, #tpu.memory_space<vmem>>, %arg8: memref<20x100xi32, #tpu.memory_space<vmem>>, %arg9: memref<3x100x128xf32, #tpu.memory_space<vmem>>, %arg10: memref<10240x128xf32, #tpu.memory_space<vmem_shared>>, %arg11: memref<!tpu.dma_semaphore, #tpu.memory_space<semaphore_mem>>) attributes {dimension_semantics = [#tpu.dimension_semantics<core_parallel>, #tpu.dimension_semantics<subcore_parallel>], iteration_bounds = array<i64: 2, 16>, scalar_prefetch = 0 : i64, scratch_operands = 5 : i64, tpu.core_type = #tpu.core_type<sc_vector_subcore>, window_params = [{transform_indices = #map}, {transform_indices = #map1}, {transform_indices = #map1}, {transform_indices = #map}, {transform_indices = #map2}]} {
    %mul3A = arith.constant 640 : i32
    %mul3A_0 = arith.muli %arg1, %mul3A : i32
    "tpu.region"() ({
      %run_scoped3A_154 = tpu.sem_alloc : memref<!tpu.dma_semaphore, #tpu.memory_space<semaphore_mem>>
      %dma_start3A_155 = arith.constant 0 : i32
      %dma_start3A_156 = tpu.memref_slice %arg10[%mul3A_0, %dma_start3A_155] : memref<10240x128xf32, #tpu.memory_space<vmem_shared>> -> memref<640x128xf32, #tpu.memory_space<vmem_shared>>
      tpu.enqueue_dma source(%arg5 : memref<640x128xf32, #tpu.memory_space<hbm>>) target(%dma_start3A_156 : memref<640x128xf32, #tpu.memory_space<vmem_shared>>) target_semaphore(%run_scoped3A_154 : memref<!tpu.dma_semaphore, #tpu.memory_space<semaphore_mem>>)
      %dma_wait3A = arith.constant 0 : i32
      %dma_wait3A_157 = tpu.memref_slice %arg10[%mul3A_0, %dma_wait3A] : memref<10240x128xf32, #tpu.memory_space<vmem_shared>> -> memref<640x128xf32, #tpu.memory_space<vmem_shared>>
      tpu.wait_dma2 semaphore(%run_scoped3A_154 : memref<!tpu.dma_semaphore, #tpu.memory_space<semaphore_mem>>) src(%arg5 : memref<640x128xf32, #tpu.memory_space<hbm>>) dst(%dma_wait3A_157 : memref<640x128xf32, #tpu.memory_space<vmem_shared>>)
      tpu.yield
    }) : () -> ()
    %barrier3A = arith.constant 0 : index
    tpu.barrier barrier_id(%barrier3A)
    %run_scoped3A = arith.constant 0 : i32
    "tpu.region"() ({
      %run_scoped3A_154 = tpu.sem_alloc : memref<!tpu.dma_semaphore, #tpu.memory_space<semaphore_mem>>
      %dma_start3A_155 = arith.constant 0 : i32
      %dma_start3A_156 = arith.constant 0 : i32
      %dma_start3A_157 = tpu.memref_slice %arg3[%arg0, %arg1, %run_scoped3A, %dma_start3A_155, %dma_start3A_156] : memref<2x16x5x20x100xi32, #tpu.memory_space<hbm>> -> memref<1x1x1x20x100xi32, #tpu.memory_space<hbm>>
      %dma_start3A_158 = tpu.memref_squeeze %dma_start3A_157 : memref<1x1x1x20x100xi32, #tpu.memory_space<hbm>> -> memref<20x100xi32, #tpu.memory_space<hbm>>
      %dma_start3A_159 = arith.constant 0 : i32
      %dma_start3A_160 = arith.constant 0 : i32
      %dma_start3A_161 = tpu.memref_slice %arg3[%arg0, %arg1, %run_scoped3A, %dma_start3A_159, %dma_start3A_160] : memref<2x16x5x20x100xi32, #tpu.memory_space<hbm>> -> memref<1x1x1x20x100xi32, #tpu.memory_space<hbm>>
      %dma_start3A_162 = tpu.memref_squeeze %dma_start3A_161 : memref<1x1x1x20x100xi32, #tpu.memory_space<hbm>> -> memref<20x100xi32, #tpu.memory_space<hbm>>
      tpu.enqueue_dma source(%dma_start3A_162 : memref<20x100xi32, #tpu.memory_space<hbm>>) target(%arg7 : memref<20x100xi32, #tpu.memory_space<vmem>>) target_semaphore(%run_scoped3A_154 : memref<!tpu.dma_semaphore, #tpu.memory_space<semaphore_mem>>)
      %dma_wait3A = arith.constant 0 : i32
      %dma_wait3A_163 = arith.constant 0 : i32
      %dma_wait3A_164 = tpu.memref_slice %arg3[%arg0, %arg1, %run_scoped3A, %dma_wait3A, %dma_wait3A_163] : memref<2x16x5x20x100xi32, #tpu.memory_space<hbm>> -> memref<1x1x1x20x100xi32, #tpu.memory_space<hbm>>
      %dma_wait3A_165 = tpu.memref_squeeze %dma_wait3A_164 : memref<1x1x1x20x100xi32, #tpu.memory_space<hbm>> -> memref<20x100xi32, #tpu.memory_space<hbm>>
      %dma_wait3A_166 = arith.constant 0 : i32
      %dma_wait3A_167 = arith.constant 0 : i32
      %dma_wait3A_168 = tpu.memref_slice %arg3[%arg0, %arg1, %run_scoped3A, %dma_wait3A_166, %dma_wait3A_167] : memref<2x16x5x20x100xi32, #tpu.memory_space<hbm>> -> memref<1x1x1x20x100xi32, #tpu.memory_space<hbm>>
      %dma_wait3A_169 = tpu.memref_squeeze %dma_wait3A_168 : memref<1x1x1x20x100xi32, #tpu.memory_space<hbm>> -> memref<20x100xi32, #tpu.memory_space<hbm>>
      tpu.wait_dma2 semaphore(%run_scoped3A_154 : memref<!tpu.dma_semaphore, #tpu.memory_space<semaphore_mem>>) src(%dma_wait3A_169 : memref<20x100xi32, #tpu.memory_space<hbm>>) dst(%arg7 : memref<20x100xi32, #tpu.memory_space<vmem>>)
      tpu.yield
    }) : () -> ()
    %run_scoped3A_1 = arith.constant 0 : i32
    "tpu.region"() ({
      %run_scoped3A_154 = tpu.sem_alloc : memref<!tpu.dma_semaphore, #tpu.memory_space<semaphore_mem>>
      %dma_start3A_155 = arith.constant 0 : i32
      %dma_start3A_156 = arith.constant 0 : i32
      %dma_start3A_157 = tpu.memref_slice %arg4[%arg0, %arg1, %run_scoped3A_1, %dma_start3A_155, %dma_start3A_156] : memref<2x16x5x20x100xi32, #tpu.memory_space<hbm>> -> memref<1x1x1x20x100xi32, #tpu.memory_space<hbm>>
      %dma_start3A_158 = tpu.memref_squeeze %dma_start3A_157 : memref<1x1x1x20x100xi32, #tpu.memory_space<hbm>> -> memref<20x100xi32, #tpu.memory_space<hbm>>
      %dma_start3A_159 = arith.constant 0 : i32
      %dma_start3A_160 = arith.constant 0 : i32
      %dma_start3A_161 = tpu.memref_slice %arg4[%arg0, %arg1, %run_scoped3A_1, %dma_start3A_159, %dma_start3A_160] : memref<2x16x5x20x100xi32, #tpu.memory_space<hbm>> -> memref<1x1x1x20x100xi32, #tpu.memory_space<hbm>>
      %dma_start3A_162 = tpu.memref_squeeze %dma_start3A_161 : memref<1x1x1x20x100xi32, #tpu.memory_space<hbm>> -> memref<20x100xi32, #tpu.memory_space<hbm>>
      tpu.enqueue_dma source(%dma_start3A_162 : memref<20x100xi32, #tpu.memory_space<hbm>>) target(%arg8 : memref<20x100xi32, #tpu.memory_space<vmem>>) target_semaphore(%run_scoped3A_154 : memref<!tpu.dma_semaphore, #tpu.memory_space<semaphore_mem>>)
      %dma_wait3A = arith.constant 0 : i32
      %dma_wait3A_163 = arith.constant 0 : i32
      %dma_wait3A_164 = tpu.memref_slice %arg4[%arg0, %arg1, %run_scoped3A_1, %dma_wait3A, %dma_wait3A_163] : memref<2x16x5x20x100xi32, #tpu.memory_space<hbm>> -> memref<1x1x1x20x100xi32, #tpu.memory_space<hbm>>
      %dma_wait3A_165 = tpu.memref_squeeze %dma_wait3A_164 : memref<1x1x1x20x100xi32, #tpu.memory_space<hbm>> -> memref<20x100xi32, #tpu.memory_space<hbm>>
      %dma_wait3A_166 = arith.constant 0 : i32
      %dma_wait3A_167 = arith.constant 0 : i32
      %dma_wait3A_168 = tpu.memref_slice %arg4[%arg0, %arg1, %run_scoped3A_1, %dma_wait3A_166, %dma_wait3A_167] : memref<2x16x5x20x100xi32, #tpu.memory_space<hbm>> -> memref<1x1x1x20x100xi32, #tpu.memory_space<hbm>>
      %dma_wait3A_169 = tpu.memref_squeeze %dma_wait3A_168 : memref<1x1x1x20x100xi32, #tpu.memory_space<hbm>> -> memref<20x100xi32, #tpu.memory_space<hbm>>
      tpu.wait_dma2 semaphore(%run_scoped3A_154 : memref<!tpu.dma_semaphore, #tpu.memory_space<semaphore_mem>>) src(%dma_wait3A_169 : memref<20x100xi32, #tpu.memory_space<hbm>>) dst(%arg8 : memref<20x100xi32, #tpu.memory_space<vmem>>)
      tpu.yield
    }) : () -> ()
    %dma_start3A = arith.constant 0 : i32
    %dma_start3A_2 = arith.constant 0 : i32
    %dma_start3A_3 = arith.constant 0 : i32
    %dma_start3A_4 = arith.constant 0 : i32
    %dma_start3A_5 = tpu.memref_slice %arg9[%dma_start3A_2, %dma_start3A_3, %dma_start3A_4] : memref<3x100x128xf32, #tpu.memory_space<vmem>> -> memref<1x100x128xf32, #tpu.memory_space<vmem>>
    %dma_start3A_6 = tpu.memref_squeeze %dma_start3A_5 : memref<1x100x128xf32, #tpu.memory_space<vmem>> -> memref<100x128xf32, #tpu.memory_space<vmem>>
    %dma_start3A_7 = arith.constant 0 : i32
    %dma_start3A_8 = tpu.memref_slice %arg7[%dma_start3A, %dma_start3A_7] : memref<20x100xi32, #tpu.memory_space<vmem>> -> memref<1x100xi32, #tpu.memory_space<vmem>>
    %dma_start3A_9 = tpu.memref_squeeze %dma_start3A_8 : memref<1x100xi32, #tpu.memory_space<vmem>> -> memref<100xi32, #tpu.memory_space<vmem>>
    %dma_start3A_10 = arith.constant 0 : i32
    %dma_start3A_11 = arith.constant 0 : i32
    %dma_start3A_12 = tpu.memref_slice %arg2[%dma_start3A_10, %dma_start3A_11] : memref<10000x128xf32, #tpu.memory_space<hbm>> -> memref<10000x128xf32, #tpu.memory_space<hbm>>
    tpu.enqueue_indirect_dma source(%dma_start3A_12 : memref<10000x128xf32, #tpu.memory_space<hbm>>) target(%dma_start3A_6 : memref<100x128xf32, #tpu.memory_space<vmem>>) offsets(%dma_start3A_9 : memref<100xi32, #tpu.memory_space<vmem>>) semaphore(%arg11 : memref<!tpu.dma_semaphore, #tpu.memory_space<semaphore_mem>>)
    %dma_start3A_13 = arith.constant 1 : i32
    %dma_start3A_14 = arith.constant 1 : i32
    %dma_start3A_15 = arith.constant 0 : i32
    %dma_start3A_16 = arith.constant 0 : i32
    %dma_start3A_17 = tpu.memref_slice %arg9[%dma_start3A_14, %dma_start3A_15, %dma_start3A_16] : memref<3x100x128xf32, #tpu.memory_space<vmem>> -> memref<1x100x128xf32, #tpu.memory_space<vmem>>
    %dma_start3A_18 = tpu.memref_squeeze %dma_start3A_17 : memref<1x100x128xf32, #tpu.memory_space<vmem>> -> memref<100x128xf32, #tpu.memory_space<vmem>>
    %dma_start3A_19 = arith.constant 0 : i32
    %dma_start3A_20 = tpu.memref_slice %arg7[%dma_start3A_13, %dma_start3A_19] : memref<20x100xi32, #tpu.memory_space<vmem>> -> memref<1x100xi32, #tpu.memory_space<vmem>>
    %dma_start3A_21 = tpu.memref_squeeze %dma_start3A_20 : memref<1x100xi32, #tpu.memory_space<vmem>> -> memref<100xi32, #tpu.memory_space<vmem>>
    %dma_start3A_22 = arith.constant 0 : i32
    %dma_start3A_23 = arith.constant 0 : i32
    %dma_start3A_24 = tpu.memref_slice %arg2[%dma_start3A_22, %dma_start3A_23] : memref<10000x128xf32, #tpu.memory_space<hbm>> -> memref<10000x128xf32, #tpu.memory_space<hbm>>
    tpu.enqueue_indirect_dma source(%dma_start3A_24 : memref<10000x128xf32, #tpu.memory_space<hbm>>) target(%dma_start3A_18 : memref<100x128xf32, #tpu.memory_space<vmem>>) offsets(%dma_start3A_21 : memref<100xi32, #tpu.memory_space<vmem>>) semaphore(%arg11 : memref<!tpu.dma_semaphore, #tpu.memory_space<semaphore_mem>>)
    %scan3A = arith.constant 0 : i32
    %scan3A_25 = arith.constant 20 : i32
    %scan3A_26 = arith.addi %scan3A, %scan3A_25 : i32
    %scan3A_27 = arith.constant 1 : i32
    scf.for %scan3A_154 = %scan3A to %scan3A_26 step %scan3A_27  : i32 {
      %mul3A_155 = arith.constant 1 : i32
      %mul3A_156 = arith.muli %scan3A_154, %mul3A_155 : i32
      %add3A = arith.constant 0 : i32
      %add3A_157 = arith.addi %add3A, %mul3A_156 : i32
      %rem3A = arith.constant 3 : i32
      %rem3A_158 = arith.remsi %add3A_157, %rem3A : i32
      %dma_wait3A = arith.constant 0 : i32
      %dma_wait3A_159 = arith.constant 0 : i32
      %dma_wait3A_160 = tpu.memref_slice %arg9[%rem3A_158, %dma_wait3A, %dma_wait3A_159] : memref<3x100x128xf32, #tpu.memory_space<vmem>> -> memref<1x100x128xf32, #tpu.memory_space<vmem>>
      %dma_wait3A_161 = tpu.memref_squeeze %dma_wait3A_160 : memref<1x100x128xf32, #tpu.memory_space<vmem>> -> memref<100x128xf32, #tpu.memory_space<vmem>>
      %dma_wait3A_162 = arith.constant 0 : i32
      %dma_wait3A_163 = tpu.memref_slice %arg7[%add3A_157, %dma_wait3A_162] : memref<20x100xi32, #tpu.memory_space<vmem>> -> memref<1x100xi32, #tpu.memory_space<vmem>>
      %dma_wait3A_164 = tpu.memref_squeeze %dma_wait3A_163 : memref<1x100xi32, #tpu.memory_space<vmem>> -> memref<100xi32, #tpu.memory_space<vmem>>
      %dma_wait3A_165 = arith.constant 0 : i32
      %dma_wait3A_166 = arith.constant 0 : i32
      %dma_wait3A_167 = tpu.memref_slice %arg2[%dma_wait3A_165, %dma_wait3A_166] : memref<10000x128xf32, #tpu.memory_space<hbm>> -> memref<10000x128xf32, #tpu.memory_space<hbm>>
      tpu.wait_indirect_dma semaphore(%arg11 : memref<!tpu.dma_semaphore, #tpu.memory_space<semaphore_mem>>) src(%dma_wait3A_167 : memref<10000x128xf32, #tpu.memory_space<hbm>>) dst(%dma_wait3A_161 : memref<100x128xf32, #tpu.memory_space<vmem>>)
      %add3A_168 = arith.constant 2 : i32
      %add3A_169 = arith.addi %add3A_157, %add3A_168 : i32
      %lt3A = arith.constant 20 : i32
      %lt3A_170 = arith.cmpi slt, %add3A_169, %lt3A : i32
      %convert_element_type3A = arith.extui %lt3A_170 : i1 to i32
      %cond3A = arith.constant 0 : i32
      %cond3A_171 = arith.cmpi ne, %convert_element_type3A, %cond3A : i32
      scf.if %cond3A_171 {
        %add3A_172 = arith.constant 2 : i32
        %add3A_173 = arith.addi %add3A_157, %add3A_172 : i32
        %add3A_174 = arith.constant 2 : i32
        %add3A_175 = arith.addi %add3A_157, %add3A_174 : i32
        %rem3A_176 = arith.constant 3 : i32
        %rem3A_177 = arith.remsi %add3A_175, %rem3A_176 : i32
        %dma_start3A_178 = arith.constant 0 : i32
        %dma_start3A_179 = arith.constant 0 : i32
        %dma_start3A_180 = tpu.memref_slice %arg9[%rem3A_177, %dma_start3A_178, %dma_start3A_179] : memref<3x100x128xf32, #tpu.memory_space<vmem>> -> memref<1x100x128xf32, #tpu.memory_space<vmem>>
        %dma_start3A_181 = tpu.memref_squeeze %dma_start3A_180 : memref<1x100x128xf32, #tpu.memory_space<vmem>> -> memref<100x128xf32, #tpu.memory_space<vmem>>
        %dma_start3A_182 = arith.constant 0 : i32
        %dma_start3A_183 = tpu.memref_slice %arg7[%add3A_173, %dma_start3A_182] : memref<20x100xi32, #tpu.memory_space<vmem>> -> memref<1x100xi32, #tpu.memory_space<vmem>>
        %dma_start3A_184 = tpu.memref_squeeze %dma_start3A_183 : memref<1x100xi32, #tpu.memory_space<vmem>> -> memref<100xi32, #tpu.memory_space<vmem>>
        %dma_start3A_185 = arith.constant 0 : i32
        %dma_start3A_186 = arith.constant 0 : i32
        %dma_start3A_187 = tpu.memref_slice %arg2[%dma_start3A_185, %dma_start3A_186] : memref<10000x128xf32, #tpu.memory_space<hbm>> -> memref<10000x128xf32, #tpu.memory_space<hbm>>
        tpu.enqueue_indirect_dma source(%dma_start3A_187 : memref<10000x128xf32, #tpu.memory_space<hbm>>) target(%dma_start3A_181 : memref<100x128xf32, #tpu.memory_space<vmem>>) offsets(%dma_start3A_184 : memref<100xi32, #tpu.memory_space<vmem>>) semaphore(%arg11 : memref<!tpu.dma_semaphore, #tpu.memory_space<semaphore_mem>>)
      } else {
      }
      "tpu.region"() ({
        %run_scoped3A_172 = tpu.sem_alloc : memref<!tpu.dma_semaphore, #tpu.memory_space<semaphore_mem>>
        %dma_start3A_173 = arith.constant 0 : i32
        %dma_start3A_174 = arith.constant 0 : i32
        %dma_start3A_175 = tpu.memref_slice %arg9[%rem3A_158, %dma_start3A_173, %dma_start3A_174] : memref<3x100x128xf32, #tpu.memory_space<vmem>> -> memref<1x100x128xf32, #tpu.memory_space<vmem>>
        %dma_start3A_176 = tpu.memref_squeeze %dma_start3A_175 : memref<1x100x128xf32, #tpu.memory_space<vmem>> -> memref<100x128xf32, #tpu.memory_space<vmem>>
        %dma_start3A_177 = arith.constant 0 : i32
        %dma_start3A_178 = tpu.memref_slice %arg8[%add3A_157, %dma_start3A_177] : memref<20x100xi32, #tpu.memory_space<vmem>> -> memref<1x100xi32, #tpu.memory_space<vmem>>
        %dma_start3A_179 = tpu.memref_squeeze %dma_start3A_178 : memref<1x100xi32, #tpu.memory_space<vmem>> -> memref<100xi32, #tpu.memory_space<vmem>>
        %dma_start3A_180 = arith.constant 0 : i32
        %dma_start3A_181 = arith.constant 0 : i32
        %dma_start3A_182 = tpu.memref_slice %arg10[%dma_start3A_180, %dma_start3A_181] : memref<10240x128xf32, #tpu.memory_space<vmem_shared>> -> memref<10240x128xf32, #tpu.memory_space<vmem_shared>>
        tpu.enqueue_indirect_dma source(%dma_start3A_176 : memref<100x128xf32, #tpu.memory_space<vmem>>) target(%dma_start3A_182 : memref<10240x128xf32, #tpu.memory_space<vmem_shared>>) offsets(%dma_start3A_179 : memref<100xi32, #tpu.memory_space<vmem>>) semaphore(%run_scoped3A_172 : memref<!tpu.dma_semaphore, #tpu.memory_space<semaphore_mem>>) {add = true}
        %dma_wait3A_183 = arith.constant 0 : i32
        %dma_wait3A_184 = arith.constant 0 : i32
        %dma_wait3A_185 = tpu.memref_slice %arg9[%rem3A_158, %dma_wait3A_183, %dma_wait3A_184] : memref<3x100x128xf32, #tpu.memory_space<vmem>> -> memref<1x100x128xf32, #tpu.memory_space<vmem>>
        %dma_wait3A_186 = tpu.memref_squeeze %dma_wait3A_185 : memref<1x100x128xf32, #tpu.memory_space<vmem>> -> memref<100x128xf32, #tpu.memory_space<vmem>>
        %dma_wait3A_187 = arith.constant 0 : i32
        %dma_wait3A_188 = tpu.memref_slice %arg8[%add3A_157, %dma_wait3A_187] : memref<20x100xi32, #tpu.memory_space<vmem>> -> memref<1x100xi32, #tpu.memory_space<vmem>>
        %dma_wait3A_189 = tpu.memref_squeeze %dma_wait3A_188 : memref<1x100xi32, #tpu.memory_space<vmem>> -> memref<100xi32, #tpu.memory_space<vmem>>
        %dma_wait3A_190 = arith.constant 0 : i32
        %dma_wait3A_191 = arith.constant 0 : i32
        %dma_wait3A_192 = tpu.memref_slice %arg10[%dma_wait3A_190, %dma_wait3A_191] : memref<10240x128xf32, #tpu.memory_space<vmem_shared>> -> memref<10240x128xf32, #tpu.memory_space<vmem_shared>>
        tpu.wait_indirect_dma semaphore(%run_scoped3A_172 : memref<!tpu.dma_semaphore, #tpu.memory_space<semaphore_mem>>) src(%dma_wait3A_186 : memref<100x128xf32, #tpu.memory_space<vmem>>) dst(%dma_wait3A_192 : memref<10240x128xf32, #tpu.memory_space<vmem_shared>>)
        tpu.yield
      }) : () -> ()
    }
    %scan3A_28 = arith.constant 20 : i32
    %run_scoped3A_29 = arith.constant 1 : i32
    "tpu.region"() ({
      %run_scoped3A_154 = tpu.sem_alloc : memref<!tpu.dma_semaphore, #tpu.memory_space<semaphore_mem>>
      %dma_start3A_155 = arith.constant 0 : i32
      %dma_start3A_156 = arith.constant 0 : i32
      %dma_start3A_157 = tpu.memref_slice %arg3[%arg0, %arg1, %run_scoped3A_29, %dma_start3A_155, %dma_start3A_156] : memref<2x16x5x20x100xi32, #tpu.memory_space<hbm>> -> memref<1x1x1x20x100xi32, #tpu.memory_space<hbm>>
      %dma_start3A_158 = tpu.memref_squeeze %dma_start3A_157 : memref<1x1x1x20x100xi32, #tpu.memory_space<hbm>> -> memref<20x100xi32, #tpu.memory_space<hbm>>
      %dma_start3A_159 = arith.constant 0 : i32
      %dma_start3A_160 = arith.constant 0 : i32
      %dma_start3A_161 = tpu.memref_slice %arg3[%arg0, %arg1, %run_scoped3A_29, %dma_start3A_159, %dma_start3A_160] : memref<2x16x5x20x100xi32, #tpu.memory_space<hbm>> -> memref<1x1x1x20x100xi32, #tpu.memory_space<hbm>>
      %dma_start3A_162 = tpu.memref_squeeze %dma_start3A_161 : memref<1x1x1x20x100xi32, #tpu.memory_space<hbm>> -> memref<20x100xi32, #tpu.memory_space<hbm>>
      tpu.enqueue_dma source(%dma_start3A_162 : memref<20x100xi32, #tpu.memory_space<hbm>>) target(%arg7 : memref<20x100xi32, #tpu.memory_space<vmem>>) target_semaphore(%run_scoped3A_154 : memref<!tpu.dma_semaphore, #tpu.memory_space<semaphore_mem>>)
      %dma_wait3A = arith.constant 0 : i32
      %dma_wait3A_163 = arith.constant 0 : i32
      %dma_wait3A_164 = tpu.memref_slice %arg3[%arg0, %arg1, %run_scoped3A_29, %dma_wait3A, %dma_wait3A_163] : memref<2x16x5x20x100xi32, #tpu.memory_space<hbm>> -> memref<1x1x1x20x100xi32, #tpu.memory_space<hbm>>
      %dma_wait3A_165 = tpu.memref_squeeze %dma_wait3A_164 : memref<1x1x1x20x100xi32, #tpu.memory_space<hbm>> -> memref<20x100xi32, #tpu.memory_space<hbm>>
      %dma_wait3A_166 = arith.constant 0 : i32
      %dma_wait3A_167 = arith.constant 0 : i32
      %dma_wait3A_168 = tpu.memref_slice %arg3[%arg0, %arg1, %run_scoped3A_29, %dma_wait3A_166, %dma_wait3A_167] : memref<2x16x5x20x100xi32, #tpu.memory_space<hbm>> -> memref<1x1x1x20x100xi32, #tpu.memory_space<hbm>>
      %dma_wait3A_169 = tpu.memref_squeeze %dma_wait3A_168 : memref<1x1x1x20x100xi32, #tpu.memory_space<hbm>> -> memref<20x100xi32, #tpu.memory_space<hbm>>
      tpu.wait_dma2 semaphore(%run_scoped3A_154 : memref<!tpu.dma_semaphore, #tpu.memory_space<semaphore_mem>>) src(%dma_wait3A_169 : memref<20x100xi32, #tpu.memory_space<hbm>>) dst(%arg7 : memref<20x100xi32, #tpu.memory_space<vmem>>)
      tpu.yield
    }) : () -> ()
    %run_scoped3A_30 = arith.constant 1 : i32
    "tpu.region"() ({
      %run_scoped3A_154 = tpu.sem_alloc : memref<!tpu.dma_semaphore, #tpu.memory_space<semaphore_mem>>
      %dma_start3A_155 = arith.constant 0 : i32
      %dma_start3A_156 = arith.constant 0 : i32
      %dma_start3A_157 = tpu.memref_slice %arg4[%arg0, %arg1, %run_scoped3A_30, %dma_start3A_155, %dma_start3A_156] : memref<2x16x5x20x100xi32, #tpu.memory_space<hbm>> -> memref<1x1x1x20x100xi32, #tpu.memory_space<hbm>>
      %dma_start3A_158 = tpu.memref_squeeze %dma_start3A_157 : memref<1x1x1x20x100xi32, #tpu.memory_space<hbm>> -> memref<20x100xi32, #tpu.memory_space<hbm>>
      %dma_start3A_159 = arith.constant 0 : i32
      %dma_start3A_160 = arith.constant 0 : i32
      %dma_start3A_161 = tpu.memref_slice %arg4[%arg0, %arg1, %run_scoped3A_30, %dma_start3A_159, %dma_start3A_160] : memref<2x16x5x20x100xi32, #tpu.memory_space<hbm>> -> memref<1x1x1x20x100xi32, #tpu.memory_space<hbm>>
      %dma_start3A_162 = tpu.memref_squeeze %dma_start3A_161 : memref<1x1x1x20x100xi32, #tpu.memory_space<hbm>> -> memref<20x100xi32, #tpu.memory_space<hbm>>
      tpu.enqueue_dma source(%dma_start3A_162 : memref<20x100xi32, #tpu.memory_space<hbm>>) target(%arg8 : memref<20x100xi32, #tpu.memory_space<vmem>>) target_semaphore(%run_scoped3A_154 : memref<!tpu.dma_semaphore, #tpu.memory_space<semaphore_mem>>)
      %dma_wait3A = arith.constant 0 : i32
      %dma_wait3A_163 = arith.constant 0 : i32
      %dma_wait3A_164 = tpu.memref_slice %arg4[%arg0, %arg1, %run_scoped3A_30, %dma_wait3A, %dma_wait3A_163] : memref<2x16x5x20x100xi32, #tpu.memory_space<hbm>> -> memref<1x1x1x20x100xi32, #tpu.memory_space<hbm>>
      %dma_wait3A_165 = tpu.memref_squeeze %dma_wait3A_164 : memref<1x1x1x20x100xi32, #tpu.memory_space<hbm>> -> memref<20x100xi32, #tpu.memory_space<hbm>>
      %dma_wait3A_166 = arith.constant 0 : i32
      %dma_wait3A_167 = arith.constant 0 : i32
      %dma_wait3A_168 = tpu.memref_slice %arg4[%arg0, %arg1, %run_scoped3A_30, %dma_wait3A_166, %dma_wait3A_167] : memref<2x16x5x20x100xi32, #tpu.memory_space<hbm>> -> memref<1x1x1x20x100xi32, #tpu.memory_space<hbm>>
      %dma_wait3A_169 = tpu.memref_squeeze %dma_wait3A_168 : memref<1x1x1x20x100xi32, #tpu.memory_space<hbm>> -> memref<20x100xi32, #tpu.memory_space<hbm>>
      tpu.wait_dma2 semaphore(%run_scoped3A_154 : memref<!tpu.dma_semaphore, #tpu.memory_space<semaphore_mem>>) src(%dma_wait3A_169 : memref<20x100xi32, #tpu.memory_space<hbm>>) dst(%arg8 : memref<20x100xi32, #tpu.memory_space<vmem>>)
      tpu.yield
    }) : () -> ()
    %dma_start3A_31 = arith.constant 0 : i32
    %dma_start3A_32 = arith.constant 0 : i32
    %dma_start3A_33 = arith.constant 0 : i32
    %dma_start3A_34 = arith.constant 0 : i32
    %dma_start3A_35 = tpu.memref_slice %arg9[%dma_start3A_32, %dma_start3A_33, %dma_start3A_34] : memref<3x100x128xf32, #tpu.memory_space<vmem>> -> memref<1x100x128xf32, #tpu.memory_space<vmem>>
    %dma_start3A_36 = tpu.memref_squeeze %dma_start3A_35 : memref<1x100x128xf32, #tpu.memory_space<vmem>> -> memref<100x128xf32, #tpu.memory_space<vmem>>
    %dma_start3A_37 = arith.constant 0 : i32
    %dma_start3A_38 = tpu.memref_slice %arg7[%dma_start3A_31, %dma_start3A_37] : memref<20x100xi32, #tpu.memory_space<vmem>> -> memref<1x100xi32, #tpu.memory_space<vmem>>
    %dma_start3A_39 = tpu.memref_squeeze %dma_start3A_38 : memref<1x100xi32, #tpu.memory_space<vmem>> -> memref<100xi32, #tpu.memory_space<vmem>>
    %dma_start3A_40 = arith.constant 0 : i32
    %dma_start3A_41 = arith.constant 0 : i32
    %dma_start3A_42 = tpu.memref_slice %arg2[%dma_start3A_40, %dma_start3A_41] : memref<10000x128xf32, #tpu.memory_space<hbm>> -> memref<10000x128xf32, #tpu.memory_space<hbm>>
    tpu.enqueue_indirect_dma source(%dma_start3A_42 : memref<10000x128xf32, #tpu.memory_space<hbm>>) target(%dma_start3A_36 : memref<100x128xf32, #tpu.memory_space<vmem>>) offsets(%dma_start3A_39 : memref<100xi32, #tpu.memory_space<vmem>>) semaphore(%arg11 : memref<!tpu.dma_semaphore, #tpu.memory_space<semaphore_mem>>)
    %dma_start3A_43 = arith.constant 1 : i32
    %dma_start3A_44 = arith.constant 1 : i32
    %dma_start3A_45 = arith.constant 0 : i32
    %dma_start3A_46 = arith.constant 0 : i32
    %dma_start3A_47 = tpu.memref_slice %arg9[%dma_start3A_44, %dma_start3A_45, %dma_start3A_46] : memref<3x100x128xf32, #tpu.memory_space<vmem>> -> memref<1x100x128xf32, #tpu.memory_space<vmem>>
    %dma_start3A_48 = tpu.memref_squeeze %dma_start3A_47 : memref<1x100x128xf32, #tpu.memory_space<vmem>> -> memref<100x128xf32, #tpu.memory_space<vmem>>
    %dma_start3A_49 = arith.constant 0 : i32
    %dma_start3A_50 = tpu.memref_slice %arg7[%dma_start3A_43, %dma_start3A_49] : memref<20x100xi32, #tpu.memory_space<vmem>> -> memref<1x100xi32, #tpu.memory_space<vmem>>
    %dma_start3A_51 = tpu.memref_squeeze %dma_start3A_50 : memref<1x100xi32, #tpu.memory_space<vmem>> -> memref<100xi32, #tpu.memory_space<vmem>>
    %dma_start3A_52 = arith.constant 0 : i32
    %dma_start3A_53 = arith.constant 0 : i32
    %dma_start3A_54 = tpu.memref_slice %arg2[%dma_start3A_52, %dma_start3A_53] : memref<10000x128xf32, #tpu.memory_space<hbm>> -> memref<10000x128xf32, #tpu.memory_space<hbm>>
    tpu.enqueue_indirect_dma source(%dma_start3A_54 : memref<10000x128xf32, #tpu.memory_space<hbm>>) target(%dma_start3A_48 : memref<100x128xf32, #tpu.memory_space<vmem>>) offsets(%dma_start3A_51 : memref<100xi32, #tpu.memory_space<vmem>>) semaphore(%arg11 : memref<!tpu.dma_semaphore, #tpu.memory_space<semaphore_mem>>)
    %scan3A_55 = arith.constant 0 : i32
    %scan3A_56 = arith.constant 20 : i32
    %scan3A_57 = arith.addi %scan3A_55, %scan3A_56 : i32
    %scan3A_58 = arith.constant 1 : i32
    scf.for %scan3A_154 = %scan3A_55 to %scan3A_57 step %scan3A_58  : i32 {
      %mul3A_155 = arith.constant 1 : i32
      %mul3A_156 = arith.muli %scan3A_154, %mul3A_155 : i32
      %add3A = arith.constant 0 : i32
      %add3A_157 = arith.addi %add3A, %mul3A_156 : i32
      %rem3A = arith.constant 3 : i32
      %rem3A_158 = arith.remsi %add3A_157, %rem3A : i32
      %dma_wait3A = arith.constant 0 : i32
      %dma_wait3A_159 = arith.constant 0 : i32
      %dma_wait3A_160 = tpu.memref_slice %arg9[%rem3A_158, %dma_wait3A, %dma_wait3A_159] : memref<3x100x128xf32, #tpu.memory_space<vmem>> -> memref<1x100x128xf32, #tpu.memory_space<vmem>>
      %dma_wait3A_161 = tpu.memref_squeeze %dma_wait3A_160 : memref<1x100x128xf32, #tpu.memory_space<vmem>> -> memref<100x128xf32, #tpu.memory_space<vmem>>
      %dma_wait3A_162 = arith.constant 0 : i32
      %dma_wait3A_163 = tpu.memref_slice %arg7[%add3A_157, %dma_wait3A_162] : memref<20x100xi32, #tpu.memory_space<vmem>> -> memref<1x100xi32, #tpu.memory_space<vmem>>
      %dma_wait3A_164 = tpu.memref_squeeze %dma_wait3A_163 : memref<1x100xi32, #tpu.memory_space<vmem>> -> memref<100xi32, #tpu.memory_space<vmem>>
      %dma_wait3A_165 = arith.constant 0 : i32
      %dma_wait3A_166 = arith.constant 0 : i32
      %dma_wait3A_167 = tpu.memref_slice %arg2[%dma_wait3A_165, %dma_wait3A_166] : memref<10000x128xf32, #tpu.memory_space<hbm>> -> memref<10000x128xf32, #tpu.memory_space<hbm>>
      tpu.wait_indirect_dma semaphore(%arg11 : memref<!tpu.dma_semaphore, #tpu.memory_space<semaphore_mem>>) src(%dma_wait3A_167 : memref<10000x128xf32, #tpu.memory_space<hbm>>) dst(%dma_wait3A_161 : memref<100x128xf32, #tpu.memory_space<vmem>>)
      %add3A_168 = arith.constant 2 : i32
      %add3A_169 = arith.addi %add3A_157, %add3A_168 : i32
      %lt3A = arith.constant 20 : i32
      %lt3A_170 = arith.cmpi slt, %add3A_169, %lt3A : i32
      %convert_element_type3A = arith.extui %lt3A_170 : i1 to i32
      %cond3A = arith.constant 0 : i32
      %cond3A_171 = arith.cmpi ne, %convert_element_type3A, %cond3A : i32
      scf.if %cond3A_171 {
        %add3A_172 = arith.constant 2 : i32
        %add3A_173 = arith.addi %add3A_157, %add3A_172 : i32
        %add3A_174 = arith.constant 2 : i32
        %add3A_175 = arith.addi %add3A_157, %add3A_174 : i32
        %rem3A_176 = arith.constant 3 : i32
        %rem3A_177 = arith.remsi %add3A_175, %rem3A_176 : i32
        %dma_start3A_178 = arith.constant 0 : i32
        %dma_start3A_179 = arith.constant 0 : i32
        %dma_start3A_180 = tpu.memref_slice %arg9[%rem3A_177, %dma_start3A_178, %dma_start3A_179] : memref<3x100x128xf32, #tpu.memory_space<vmem>> -> memref<1x100x128xf32, #tpu.memory_space<vmem>>
        %dma_start3A_181 = tpu.memref_squeeze %dma_start3A_180 : memref<1x100x128xf32, #tpu.memory_space<vmem>> -> memref<100x128xf32, #tpu.memory_space<vmem>>
        %dma_start3A_182 = arith.constant 0 : i32
        %dma_start3A_183 = tpu.memref_slice %arg7[%add3A_173, %dma_start3A_182] : memref<20x100xi32, #tpu.memory_space<vmem>> -> memref<1x100xi32, #tpu.memory_space<vmem>>
        %dma_start3A_184 = tpu.memref_squeeze %dma_start3A_183 : memref<1x100xi32, #tpu.memory_space<vmem>> -> memref<100xi32, #tpu.memory_space<vmem>>
        %dma_start3A_185 = arith.constant 0 : i32
        %dma_start3A_186 = arith.constant 0 : i32
        %dma_start3A_187 = tpu.memref_slice %arg2[%dma_start3A_185, %dma_start3A_186] : memref<10000x128xf32, #tpu.memory_space<hbm>> -> memref<10000x128xf32, #tpu.memory_space<hbm>>
        tpu.enqueue_indirect_dma source(%dma_start3A_187 : memref<10000x128xf32, #tpu.memory_space<hbm>>) target(%dma_start3A_181 : memref<100x128xf32, #tpu.memory_space<vmem>>) offsets(%dma_start3A_184 : memref<100xi32, #tpu.memory_space<vmem>>) semaphore(%arg11 : memref<!tpu.dma_semaphore, #tpu.memory_space<semaphore_mem>>)
      } else {
      }
      "tpu.region"() ({
        %run_scoped3A_172 = tpu.sem_alloc : memref<!tpu.dma_semaphore, #tpu.memory_space<semaphore_mem>>
        %dma_start3A_173 = arith.constant 0 : i32
        %dma_start3A_174 = arith.constant 0 : i32
        %dma_start3A_175 = tpu.memref_slice %arg9[%rem3A_158, %dma_start3A_173, %dma_start3A_174] : memref<3x100x128xf32, #tpu.memory_space<vmem>> -> memref<1x100x128xf32, #tpu.memory_space<vmem>>
        %dma_start3A_176 = tpu.memref_squeeze %dma_start3A_175 : memref<1x100x128xf32, #tpu.memory_space<vmem>> -> memref<100x128xf32, #tpu.memory_space<vmem>>
        %dma_start3A_177 = arith.constant 0 : i32
        %dma_start3A_178 = tpu.memref_slice %arg8[%add3A_157, %dma_start3A_177] : memref<20x100xi32, #tpu.memory_space<vmem>> -> memref<1x100xi32, #tpu.memory_space<vmem>>
        %dma_start3A_179 = tpu.memref_squeeze %dma_start3A_178 : memref<1x100xi32, #tpu.memory_space<vmem>> -> memref<100xi32, #tpu.memory_space<vmem>>
        %dma_start3A_180 = arith.constant 0 : i32
        %dma_start3A_181 = arith.constant 0 : i32
        %dma_start3A_182 = tpu.memref_slice %arg10[%dma_start3A_180, %dma_start3A_181] : memref<10240x128xf32, #tpu.memory_space<vmem_shared>> -> memref<10240x128xf32, #tpu.memory_space<vmem_shared>>
        tpu.enqueue_indirect_dma source(%dma_start3A_176 : memref<100x128xf32, #tpu.memory_space<vmem>>) target(%dma_start3A_182 : memref<10240x128xf32, #tpu.memory_space<vmem_shared>>) offsets(%dma_start3A_179 : memref<100xi32, #tpu.memory_space<vmem>>) semaphore(%run_scoped3A_172 : memref<!tpu.dma_semaphore, #tpu.memory_space<semaphore_mem>>) {add = true}
        %dma_wait3A_183 = arith.constant 0 : i32
        %dma_wait3A_184 = arith.constant 0 : i32
        %dma_wait3A_185 = tpu.memref_slice %arg9[%rem3A_158, %dma_wait3A_183, %dma_wait3A_184] : memref<3x100x128xf32, #tpu.memory_space<vmem>> -> memref<1x100x128xf32, #tpu.memory_space<vmem>>
        %dma_wait3A_186 = tpu.memref_squeeze %dma_wait3A_185 : memref<1x100x128xf32, #tpu.memory_space<vmem>> -> memref<100x128xf32, #tpu.memory_space<vmem>>
        %dma_wait3A_187 = arith.constant 0 : i32
        %dma_wait3A_188 = tpu.memref_slice %arg8[%add3A_157, %dma_wait3A_187] : memref<20x100xi32, #tpu.memory_space<vmem>> -> memref<1x100xi32, #tpu.memory_space<vmem>>
        %dma_wait3A_189 = tpu.memref_squeeze %dma_wait3A_188 : memref<1x100xi32, #tpu.memory_space<vmem>> -> memref<100xi32, #tpu.memory_space<vmem>>
        %dma_wait3A_190 = arith.constant 0 : i32
        %dma_wait3A_191 = arith.constant 0 : i32
        %dma_wait3A_192 = tpu.memref_slice %arg10[%dma_wait3A_190, %dma_wait3A_191] : memref<10240x128xf32, #tpu.memory_space<vmem_shared>> -> memref<10240x128xf32, #tpu.memory_space<vmem_shared>>
        tpu.wait_indirect_dma semaphore(%run_scoped3A_172 : memref<!tpu.dma_semaphore, #tpu.memory_space<semaphore_mem>>) src(%dma_wait3A_186 : memref<100x128xf32, #tpu.memory_space<vmem>>) dst(%dma_wait3A_192 : memref<10240x128xf32, #tpu.memory_space<vmem_shared>>)
        tpu.yield
      }) : () -> ()
    }
    %scan3A_59 = arith.constant 20 : i32
    %run_scoped3A_60 = arith.constant 2 : i32
    "tpu.region"() ({
      %run_scoped3A_154 = tpu.sem_alloc : memref<!tpu.dma_semaphore, #tpu.memory_space<semaphore_mem>>
      %dma_start3A_155 = arith.constant 0 : i32
      %dma_start3A_156 = arith.constant 0 : i32
      %dma_start3A_157 = tpu.memref_slice %arg3[%arg0, %arg1, %run_scoped3A_60, %dma_start3A_155, %dma_start3A_156] : memref<2x16x5x20x100xi32, #tpu.memory_space<hbm>> -> memref<1x1x1x20x100xi32, #tpu.memory_space<hbm>>
      %dma_start3A_158 = tpu.memref_squeeze %dma_start3A_157 : memref<1x1x1x20x100xi32, #tpu.memory_space<hbm>> -> memref<20x100xi32, #tpu.memory_space<hbm>>
      %dma_start3A_159 = arith.constant 0 : i32
      %dma_start3A_160 = arith.constant 0 : i32
      %dma_start3A_161 = tpu.memref_slice %arg3[%arg0, %arg1, %run_scoped3A_60, %dma_start3A_159, %dma_start3A_160] : memref<2x16x5x20x100xi32, #tpu.memory_space<hbm>> -> memref<1x1x1x20x100xi32, #tpu.memory_space<hbm>>
      %dma_start3A_162 = tpu.memref_squeeze %dma_start3A_161 : memref<1x1x1x20x100xi32, #tpu.memory_space<hbm>> -> memref<20x100xi32, #tpu.memory_space<hbm>>
      tpu.enqueue_dma source(%dma_start3A_162 : memref<20x100xi32, #tpu.memory_space<hbm>>) target(%arg7 : memref<20x100xi32, #tpu.memory_space<vmem>>) target_semaphore(%run_scoped3A_154 : memref<!tpu.dma_semaphore, #tpu.memory_space<semaphore_mem>>)
      %dma_wait3A = arith.constant 0 : i32
      %dma_wait3A_163 = arith.constant 0 : i32
      %dma_wait3A_164 = tpu.memref_slice %arg3[%arg0, %arg1, %run_scoped3A_60, %dma_wait3A, %dma_wait3A_163] : memref<2x16x5x20x100xi32, #tpu.memory_space<hbm>> -> memref<1x1x1x20x100xi32, #tpu.memory_space<hbm>>
      %dma_wait3A_165 = tpu.memref_squeeze %dma_wait3A_164 : memref<1x1x1x20x100xi32, #tpu.memory_space<hbm>> -> memref<20x100xi32, #tpu.memory_space<hbm>>
      %dma_wait3A_166 = arith.constant 0 : i32
      %dma_wait3A_167 = arith.constant 0 : i32
      %dma_wait3A_168 = tpu.memref_slice %arg3[%arg0, %arg1, %run_scoped3A_60, %dma_wait3A_166, %dma_wait3A_167] : memref<2x16x5x20x100xi32, #tpu.memory_space<hbm>> -> memref<1x1x1x20x100xi32, #tpu.memory_space<hbm>>
      %dma_wait3A_169 = tpu.memref_squeeze %dma_wait3A_168 : memref<1x1x1x20x100xi32, #tpu.memory_space<hbm>> -> memref<20x100xi32, #tpu.memory_space<hbm>>
      tpu.wait_dma2 semaphore(%run_scoped3A_154 : memref<!tpu.dma_semaphore, #tpu.memory_space<semaphore_mem>>) src(%dma_wait3A_169 : memref<20x100xi32, #tpu.memory_space<hbm>>) dst(%arg7 : memref<20x100xi32, #tpu.memory_space<vmem>>)
      tpu.yield
    }) : () -> ()
    %run_scoped3A_61 = arith.constant 2 : i32
    "tpu.region"() ({
      %run_scoped3A_154 = tpu.sem_alloc : memref<!tpu.dma_semaphore, #tpu.memory_space<semaphore_mem>>
      %dma_start3A_155 = arith.constant 0 : i32
      %dma_start3A_156 = arith.constant 0 : i32
      %dma_start3A_157 = tpu.memref_slice %arg4[%arg0, %arg1, %run_scoped3A_61, %dma_start3A_155, %dma_start3A_156] : memref<2x16x5x20x100xi32, #tpu.memory_space<hbm>> -> memref<1x1x1x20x100xi32, #tpu.memory_space<hbm>>
      %dma_start3A_158 = tpu.memref_squeeze %dma_start3A_157 : memref<1x1x1x20x100xi32, #tpu.memory_space<hbm>> -> memref<20x100xi32, #tpu.memory_space<hbm>>
      %dma_start3A_159 = arith.constant 0 : i32
      %dma_start3A_160 = arith.constant 0 : i32
      %dma_start3A_161 = tpu.memref_slice %arg4[%arg0, %arg1, %run_scoped3A_61, %dma_start3A_159, %dma_start3A_160] : memref<2x16x5x20x100xi32, #tpu.memory_space<hbm>> -> memref<1x1x1x20x100xi32, #tpu.memory_space<hbm>>
      %dma_start3A_162 = tpu.memref_squeeze %dma_start3A_161 : memref<1x1x1x20x100xi32, #tpu.memory_space<hbm>> -> memref<20x100xi32, #tpu.memory_space<hbm>>
      tpu.enqueue_dma source(%dma_start3A_162 : memref<20x100xi32, #tpu.memory_space<hbm>>) target(%arg8 : memref<20x100xi32, #tpu.memory_space<vmem>>) target_semaphore(%run_scoped3A_154 : memref<!tpu.dma_semaphore, #tpu.memory_space<semaphore_mem>>)
      %dma_wait3A = arith.constant 0 : i32
      %dma_wait3A_163 = arith.constant 0 : i32
      %dma_wait3A_164 = tpu.memref_slice %arg4[%arg0, %arg1, %run_scoped3A_61, %dma_wait3A, %dma_wait3A_163] : memref<2x16x5x20x100xi32, #tpu.memory_space<hbm>> -> memref<1x1x1x20x100xi32, #tpu.memory_space<hbm>>
      %dma_wait3A_165 = tpu.memref_squeeze %dma_wait3A_164 : memref<1x1x1x20x100xi32, #tpu.memory_space<hbm>> -> memref<20x100xi32, #tpu.memory_space<hbm>>
      %dma_wait3A_166 = arith.constant 0 : i32
      %dma_wait3A_167 = arith.constant 0 : i32
      %dma_wait3A_168 = tpu.memref_slice %arg4[%arg0, %arg1, %run_scoped3A_61, %dma_wait3A_166, %dma_wait3A_167] : memref<2x16x5x20x100xi32, #tpu.memory_space<hbm>> -> memref<1x1x1x20x100xi32, #tpu.memory_space<hbm>>
      %dma_wait3A_169 = tpu.memref_squeeze %dma_wait3A_168 : memref<1x1x1x20x100xi32, #tpu.memory_space<hbm>> -> memref<20x100xi32, #tpu.memory_space<hbm>>
      tpu.wait_dma2 semaphore(%run_scoped3A_154 : memref<!tpu.dma_semaphore, #tpu.memory_space<semaphore_mem>>) src(%dma_wait3A_169 : memref<20x100xi32, #tpu.memory_space<hbm>>) dst(%arg8 : memref<20x100xi32, #tpu.memory_space<vmem>>)
      tpu.yield
    }) : () -> ()
    %dma_start3A_62 = arith.constant 0 : i32
    %dma_start3A_63 = arith.constant 0 : i32
    %dma_start3A_64 = arith.constant 0 : i32
    %dma_start3A_65 = arith.constant 0 : i32
    %dma_start3A_66 = tpu.memref_slice %arg9[%dma_start3A_63, %dma_start3A_64, %dma_start3A_65] : memref<3x100x128xf32, #tpu.memory_space<vmem>> -> memref<1x100x128xf32, #tpu.memory_space<vmem>>
    %dma_start3A_67 = tpu.memref_squeeze %dma_start3A_66 : memref<1x100x128xf32, #tpu.memory_space<vmem>> -> memref<100x128xf32, #tpu.memory_space<vmem>>
    %dma_start3A_68 = arith.constant 0 : i32
    %dma_start3A_69 = tpu.memref_slice %arg7[%dma_start3A_62, %dma_start3A_68] : memref<20x100xi32, #tpu.memory_space<vmem>> -> memref<1x100xi32, #tpu.memory_space<vmem>>
    %dma_start3A_70 = tpu.memref_squeeze %dma_start3A_69 : memref<1x100xi32, #tpu.memory_space<vmem>> -> memref<100xi32, #tpu.memory_space<vmem>>
    %dma_start3A_71 = arith.constant 0 : i32
    %dma_start3A_72 = arith.constant 0 : i32
    %dma_start3A_73 = tpu.memref_slice %arg2[%dma_start3A_71, %dma_start3A_72] : memref<10000x128xf32, #tpu.memory_space<hbm>> -> memref<10000x128xf32, #tpu.memory_space<hbm>>
    tpu.enqueue_indirect_dma source(%dma_start3A_73 : memref<10000x128xf32, #tpu.memory_space<hbm>>) target(%dma_start3A_67 : memref<100x128xf32, #tpu.memory_space<vmem>>) offsets(%dma_start3A_70 : memref<100xi32, #tpu.memory_space<vmem>>) semaphore(%arg11 : memref<!tpu.dma_semaphore, #tpu.memory_space<semaphore_mem>>)
    %dma_start3A_74 = arith.constant 1 : i32
    %dma_start3A_75 = arith.constant 1 : i32
    %dma_start3A_76 = arith.constant 0 : i32
    %dma_start3A_77 = arith.constant 0 : i32
    %dma_start3A_78 = tpu.memref_slice %arg9[%dma_start3A_75, %dma_start3A_76, %dma_start3A_77] : memref<3x100x128xf32, #tpu.memory_space<vmem>> -> memref<1x100x128xf32, #tpu.memory_space<vmem>>
    %dma_start3A_79 = tpu.memref_squeeze %dma_start3A_78 : memref<1x100x128xf32, #tpu.memory_space<vmem>> -> memref<100x128xf32, #tpu.memory_space<vmem>>
    %dma_start3A_80 = arith.constant 0 : i32
    %dma_start3A_81 = tpu.memref_slice %arg7[%dma_start3A_74, %dma_start3A_80] : memref<20x100xi32, #tpu.memory_space<vmem>> -> memref<1x100xi32, #tpu.memory_space<vmem>>
    %dma_start3A_82 = tpu.memref_squeeze %dma_start3A_81 : memref<1x100xi32, #tpu.memory_space<vmem>> -> memref<100xi32, #tpu.memory_space<vmem>>
    %dma_start3A_83 = arith.constant 0 : i32
    %dma_start3A_84 = arith.constant 0 : i32
    %dma_start3A_85 = tpu.memref_slice %arg2[%dma_start3A_83, %dma_start3A_84] : memref<10000x128xf32, #tpu.memory_space<hbm>> -> memref<10000x128xf32, #tpu.memory_space<hbm>>
    tpu.enqueue_indirect_dma source(%dma_start3A_85 : memref<10000x128xf32, #tpu.memory_space<hbm>>) target(%dma_start3A_79 : memref<100x128xf32, #tpu.memory_space<vmem>>) offsets(%dma_start3A_82 : memref<100xi32, #tpu.memory_space<vmem>>) semaphore(%arg11 : memref<!tpu.dma_semaphore, #tpu.memory_space<semaphore_mem>>)
    %scan3A_86 = arith.constant 0 : i32
    %scan3A_87 = arith.constant 20 : i32
    %scan3A_88 = arith.addi %scan3A_86, %scan3A_87 : i32
    %scan3A_89 = arith.constant 1 : i32
    scf.for %scan3A_154 = %scan3A_86 to %scan3A_88 step %scan3A_89  : i32 {
      %mul3A_155 = arith.constant 1 : i32
      %mul3A_156 = arith.muli %scan3A_154, %mul3A_155 : i32
      %add3A = arith.constant 0 : i32
      %add3A_157 = arith.addi %add3A, %mul3A_156 : i32
      %rem3A = arith.constant 3 : i32
      %rem3A_158 = arith.remsi %add3A_157, %rem3A : i32
      %dma_wait3A = arith.constant 0 : i32
      %dma_wait3A_159 = arith.constant 0 : i32
      %dma_wait3A_160 = tpu.memref_slice %arg9[%rem3A_158, %dma_wait3A, %dma_wait3A_159] : memref<3x100x128xf32, #tpu.memory_space<vmem>> -> memref<1x100x128xf32, #tpu.memory_space<vmem>>
      %dma_wait3A_161 = tpu.memref_squeeze %dma_wait3A_160 : memref<1x100x128xf32, #tpu.memory_space<vmem>> -> memref<100x128xf32, #tpu.memory_space<vmem>>
      %dma_wait3A_162 = arith.constant 0 : i32
      %dma_wait3A_163 = tpu.memref_slice %arg7[%add3A_157, %dma_wait3A_162] : memref<20x100xi32, #tpu.memory_space<vmem>> -> memref<1x100xi32, #tpu.memory_space<vmem>>
      %dma_wait3A_164 = tpu.memref_squeeze %dma_wait3A_163 : memref<1x100xi32, #tpu.memory_space<vmem>> -> memref<100xi32, #tpu.memory_space<vmem>>
      %dma_wait3A_165 = arith.constant 0 : i32
      %dma_wait3A_166 = arith.constant 0 : i32
      %dma_wait3A_167 = tpu.memref_slice %arg2[%dma_wait3A_165, %dma_wait3A_166] : memref<10000x128xf32, #tpu.memory_space<hbm>> -> memref<10000x128xf32, #tpu.memory_space<hbm>>
      tpu.wait_indirect_dma semaphore(%arg11 : memref<!tpu.dma_semaphore, #tpu.memory_space<semaphore_mem>>) src(%dma_wait3A_167 : memref<10000x128xf32, #tpu.memory_space<hbm>>) dst(%dma_wait3A_161 : memref<100x128xf32, #tpu.memory_space<vmem>>)
      %add3A_168 = arith.constant 2 : i32
      %add3A_169 = arith.addi %add3A_157, %add3A_168 : i32
      %lt3A = arith.constant 20 : i32
      %lt3A_170 = arith.cmpi slt, %add3A_169, %lt3A : i32
      %convert_element_type3A = arith.extui %lt3A_170 : i1 to i32
      %cond3A = arith.constant 0 : i32
      %cond3A_171 = arith.cmpi ne, %convert_element_type3A, %cond3A : i32
      scf.if %cond3A_171 {
        %add3A_172 = arith.constant 2 : i32
        %add3A_173 = arith.addi %add3A_157, %add3A_172 : i32
        %add3A_174 = arith.constant 2 : i32
        %add3A_175 = arith.addi %add3A_157, %add3A_174 : i32
        %rem3A_176 = arith.constant 3 : i32
        %rem3A_177 = arith.remsi %add3A_175, %rem3A_176 : i32
        %dma_start3A_178 = arith.constant 0 : i32
        %dma_start3A_179 = arith.constant 0 : i32
        %dma_start3A_180 = tpu.memref_slice %arg9[%rem3A_177, %dma_start3A_178, %dma_start3A_179] : memref<3x100x128xf32, #tpu.memory_space<vmem>> -> memref<1x100x128xf32, #tpu.memory_space<vmem>>
        %dma_start3A_181 = tpu.memref_squeeze %dma_start3A_180 : memref<1x100x128xf32, #tpu.memory_space<vmem>> -> memref<100x128xf32, #tpu.memory_space<vmem>>
        %dma_start3A_182 = arith.constant 0 : i32
        %dma_start3A_183 = tpu.memref_slice %arg7[%add3A_173, %dma_start3A_182] : memref<20x100xi32, #tpu.memory_space<vmem>> -> memref<1x100xi32, #tpu.memory_space<vmem>>
        %dma_start3A_184 = tpu.memref_squeeze %dma_start3A_183 : memref<1x100xi32, #tpu.memory_space<vmem>> -> memref<100xi32, #tpu.memory_space<vmem>>
        %dma_start3A_185 = arith.constant 0 : i32
        %dma_start3A_186 = arith.constant 0 : i32
        %dma_start3A_187 = tpu.memref_slice %arg2[%dma_start3A_185, %dma_start3A_186] : memref<10000x128xf32, #tpu.memory_space<hbm>> -> memref<10000x128xf32, #tpu.memory_space<hbm>>
        tpu.enqueue_indirect_dma source(%dma_start3A_187 : memref<10000x128xf32, #tpu.memory_space<hbm>>) target(%dma_start3A_181 : memref<100x128xf32, #tpu.memory_space<vmem>>) offsets(%dma_start3A_184 : memref<100xi32, #tpu.memory_space<vmem>>) semaphore(%arg11 : memref<!tpu.dma_semaphore, #tpu.memory_space<semaphore_mem>>)
      } else {
      }
      "tpu.region"() ({
        %run_scoped3A_172 = tpu.sem_alloc : memref<!tpu.dma_semaphore, #tpu.memory_space<semaphore_mem>>
        %dma_start3A_173 = arith.constant 0 : i32
        %dma_start3A_174 = arith.constant 0 : i32
        %dma_start3A_175 = tpu.memref_slice %arg9[%rem3A_158, %dma_start3A_173, %dma_start3A_174] : memref<3x100x128xf32, #tpu.memory_space<vmem>> -> memref<1x100x128xf32, #tpu.memory_space<vmem>>
        %dma_start3A_176 = tpu.memref_squeeze %dma_start3A_175 : memref<1x100x128xf32, #tpu.memory_space<vmem>> -> memref<100x128xf32, #tpu.memory_space<vmem>>
        %dma_start3A_177 = arith.constant 0 : i32
        %dma_start3A_178 = tpu.memref_slice %arg8[%add3A_157, %dma_start3A_177] : memref<20x100xi32, #tpu.memory_space<vmem>> -> memref<1x100xi32, #tpu.memory_space<vmem>>
        %dma_start3A_179 = tpu.memref_squeeze %dma_start3A_178 : memref<1x100xi32, #tpu.memory_space<vmem>> -> memref<100xi32, #tpu.memory_space<vmem>>
        %dma_start3A_180 = arith.constant 0 : i32
        %dma_start3A_181 = arith.constant 0 : i32
        %dma_start3A_182 = tpu.memref_slice %arg10[%dma_start3A_180, %dma_start3A_181] : memref<10240x128xf32, #tpu.memory_space<vmem_shared>> -> memref<10240x128xf32, #tpu.memory_space<vmem_shared>>
        tpu.enqueue_indirect_dma source(%dma_start3A_176 : memref<100x128xf32, #tpu.memory_space<vmem>>) target(%dma_start3A_182 : memref<10240x128xf32, #tpu.memory_space<vmem_shared>>) offsets(%dma_start3A_179 : memref<100xi32, #tpu.memory_space<vmem>>) semaphore(%run_scoped3A_172 : memref<!tpu.dma_semaphore, #tpu.memory_space<semaphore_mem>>) {add = true}
        %dma_wait3A_183 = arith.constant 0 : i32
        %dma_wait3A_184 = arith.constant 0 : i32
        %dma_wait3A_185 = tpu.memref_slice %arg9[%rem3A_158, %dma_wait3A_183, %dma_wait3A_184] : memref<3x100x128xf32, #tpu.memory_space<vmem>> -> memref<1x100x128xf32, #tpu.memory_space<vmem>>
        %dma_wait3A_186 = tpu.memref_squeeze %dma_wait3A_185 : memref<1x100x128xf32, #tpu.memory_space<vmem>> -> memref<100x128xf32, #tpu.memory_space<vmem>>
        %dma_wait3A_187 = arith.constant 0 : i32
        %dma_wait3A_188 = tpu.memref_slice %arg8[%add3A_157, %dma_wait3A_187] : memref<20x100xi32, #tpu.memory_space<vmem>> -> memref<1x100xi32, #tpu.memory_space<vmem>>
        %dma_wait3A_189 = tpu.memref_squeeze %dma_wait3A_188 : memref<1x100xi32, #tpu.memory_space<vmem>> -> memref<100xi32, #tpu.memory_space<vmem>>
        %dma_wait3A_190 = arith.constant 0 : i32
        %dma_wait3A_191 = arith.constant 0 : i32
        %dma_wait3A_192 = tpu.memref_slice %arg10[%dma_wait3A_190, %dma_wait3A_191] : memref<10240x128xf32, #tpu.memory_space<vmem_shared>> -> memref<10240x128xf32, #tpu.memory_space<vmem_shared>>
        tpu.wait_indirect_dma semaphore(%run_scoped3A_172 : memref<!tpu.dma_semaphore, #tpu.memory_space<semaphore_mem>>) src(%dma_wait3A_186 : memref<100x128xf32, #tpu.memory_space<vmem>>) dst(%dma_wait3A_192 : memref<10240x128xf32, #tpu.memory_space<vmem_shared>>)
        tpu.yield
      }) : () -> ()
    }
    %scan3A_90 = arith.constant 20 : i32
    %run_scoped3A_91 = arith.constant 3 : i32
    "tpu.region"() ({
      %run_scoped3A_154 = tpu.sem_alloc : memref<!tpu.dma_semaphore, #tpu.memory_space<semaphore_mem>>
      %dma_start3A_155 = arith.constant 0 : i32
      %dma_start3A_156 = arith.constant 0 : i32
      %dma_start3A_157 = tpu.memref_slice %arg3[%arg0, %arg1, %run_scoped3A_91, %dma_start3A_155, %dma_start3A_156] : memref<2x16x5x20x100xi32, #tpu.memory_space<hbm>> -> memref<1x1x1x20x100xi32, #tpu.memory_space<hbm>>
      %dma_start3A_158 = tpu.memref_squeeze %dma_start3A_157 : memref<1x1x1x20x100xi32, #tpu.memory_space<hbm>> -> memref<20x100xi32, #tpu.memory_space<hbm>>
      %dma_start3A_159 = arith.constant 0 : i32
      %dma_start3A_160 = arith.constant 0 : i32
      %dma_start3A_161 = tpu.memref_slice %arg3[%arg0, %arg1, %run_scoped3A_91, %dma_start3A_159, %dma_start3A_160] : memref<2x16x5x20x100xi32, #tpu.memory_space<hbm>> -> memref<1x1x1x20x100xi32, #tpu.memory_space<hbm>>
      %dma_start3A_162 = tpu.memref_squeeze %dma_start3A_161 : memref<1x1x1x20x100xi32, #tpu.memory_space<hbm>> -> memref<20x100xi32, #tpu.memory_space<hbm>>
      tpu.enqueue_dma source(%dma_start3A_162 : memref<20x100xi32, #tpu.memory_space<hbm>>) target(%arg7 : memref<20x100xi32, #tpu.memory_space<vmem>>) target_semaphore(%run_scoped3A_154 : memref<!tpu.dma_semaphore, #tpu.memory_space<semaphore_mem>>)
      %dma_wait3A = arith.constant 0 : i32
      %dma_wait3A_163 = arith.constant 0 : i32
      %dma_wait3A_164 = tpu.memref_slice %arg3[%arg0, %arg1, %run_scoped3A_91, %dma_wait3A, %dma_wait3A_163] : memref<2x16x5x20x100xi32, #tpu.memory_space<hbm>> -> memref<1x1x1x20x100xi32, #tpu.memory_space<hbm>>
      %dma_wait3A_165 = tpu.memref_squeeze %dma_wait3A_164 : memref<1x1x1x20x100xi32, #tpu.memory_space<hbm>> -> memref<20x100xi32, #tpu.memory_space<hbm>>
      %dma_wait3A_166 = arith.constant 0 : i32
      %dma_wait3A_167 = arith.constant 0 : i32
      %dma_wait3A_168 = tpu.memref_slice %arg3[%arg0, %arg1, %run_scoped3A_91, %dma_wait3A_166, %dma_wait3A_167] : memref<2x16x5x20x100xi32, #tpu.memory_space<hbm>> -> memref<1x1x1x20x100xi32, #tpu.memory_space<hbm>>
      %dma_wait3A_169 = tpu.memref_squeeze %dma_wait3A_168 : memref<1x1x1x20x100xi32, #tpu.memory_space<hbm>> -> memref<20x100xi32, #tpu.memory_space<hbm>>
      tpu.wait_dma2 semaphore(%run_scoped3A_154 : memref<!tpu.dma_semaphore, #tpu.memory_space<semaphore_mem>>) src(%dma_wait3A_169 : memref<20x100xi32, #tpu.memory_space<hbm>>) dst(%arg7 : memref<20x100xi32, #tpu.memory_space<vmem>>)
      tpu.yield
    }) : () -> ()
    %run_scoped3A_92 = arith.constant 3 : i32
    "tpu.region"() ({
      %run_scoped3A_154 = tpu.sem_alloc : memref<!tpu.dma_semaphore, #tpu.memory_space<semaphore_mem>>
      %dma_start3A_155 = arith.constant 0 : i32
      %dma_start3A_156 = arith.constant 0 : i32
      %dma_start3A_157 = tpu.memref_slice %arg4[%arg0, %arg1, %run_scoped3A_92, %dma_start3A_155, %dma_start3A_156] : memref<2x16x5x20x100xi32, #tpu.memory_space<hbm>> -> memref<1x1x1x20x100xi32, #tpu.memory_space<hbm>>
      %dma_start3A_158 = tpu.memref_squeeze %dma_start3A_157 : memref<1x1x1x20x100xi32, #tpu.memory_space<hbm>> -> memref<20x100xi32, #tpu.memory_space<hbm>>
      %dma_start3A_159 = arith.constant 0 : i32
      %dma_start3A_160 = arith.constant 0 : i32
      %dma_start3A_161 = tpu.memref_slice %arg4[%arg0, %arg1, %run_scoped3A_92, %dma_start3A_159, %dma_start3A_160] : memref<2x16x5x20x100xi32, #tpu.memory_space<hbm>> -> memref<1x1x1x20x100xi32, #tpu.memory_space<hbm>>
      %dma_start3A_162 = tpu.memref_squeeze %dma_start3A_161 : memref<1x1x1x20x100xi32, #tpu.memory_space<hbm>> -> memref<20x100xi32, #tpu.memory_space<hbm>>
      tpu.enqueue_dma source(%dma_start3A_162 : memref<20x100xi32, #tpu.memory_space<hbm>>) target(%arg8 : memref<20x100xi32, #tpu.memory_space<vmem>>) target_semaphore(%run_scoped3A_154 : memref<!tpu.dma_semaphore, #tpu.memory_space<semaphore_mem>>)
      %dma_wait3A = arith.constant 0 : i32
      %dma_wait3A_163 = arith.constant 0 : i32
      %dma_wait3A_164 = tpu.memref_slice %arg4[%arg0, %arg1, %run_scoped3A_92, %dma_wait3A, %dma_wait3A_163] : memref<2x16x5x20x100xi32, #tpu.memory_space<hbm>> -> memref<1x1x1x20x100xi32, #tpu.memory_space<hbm>>
      %dma_wait3A_165 = tpu.memref_squeeze %dma_wait3A_164 : memref<1x1x1x20x100xi32, #tpu.memory_space<hbm>> -> memref<20x100xi32, #tpu.memory_space<hbm>>
      %dma_wait3A_166 = arith.constant 0 : i32
      %dma_wait3A_167 = arith.constant 0 : i32
      %dma_wait3A_168 = tpu.memref_slice %arg4[%arg0, %arg1, %run_scoped3A_92, %dma_wait3A_166, %dma_wait3A_167] : memref<2x16x5x20x100xi32, #tpu.memory_space<hbm>> -> memref<1x1x1x20x100xi32, #tpu.memory_space<hbm>>
      %dma_wait3A_169 = tpu.memref_squeeze %dma_wait3A_168 : memref<1x1x1x20x100xi32, #tpu.memory_space<hbm>> -> memref<20x100xi32, #tpu.memory_space<hbm>>
      tpu.wait_dma2 semaphore(%run_scoped3A_154 : memref<!tpu.dma_semaphore, #tpu.memory_space<semaphore_mem>>) src(%dma_wait3A_169 : memref<20x100xi32, #tpu.memory_space<hbm>>) dst(%arg8 : memref<20x100xi32, #tpu.memory_space<vmem>>)
      tpu.yield
    }) : () -> ()
    %dma_start3A_93 = arith.constant 0 : i32
    %dma_start3A_94 = arith.constant 0 : i32
    %dma_start3A_95 = arith.constant 0 : i32
    %dma_start3A_96 = arith.constant 0 : i32
    %dma_start3A_97 = tpu.memref_slice %arg9[%dma_start3A_94, %dma_start3A_95, %dma_start3A_96] : memref<3x100x128xf32, #tpu.memory_space<vmem>> -> memref<1x100x128xf32, #tpu.memory_space<vmem>>
    %dma_start3A_98 = tpu.memref_squeeze %dma_start3A_97 : memref<1x100x128xf32, #tpu.memory_space<vmem>> -> memref<100x128xf32, #tpu.memory_space<vmem>>
    %dma_start3A_99 = arith.constant 0 : i32
    %dma_start3A_100 = tpu.memref_slice %arg7[%dma_start3A_93, %dma_start3A_99] : memref<20x100xi32, #tpu.memory_space<vmem>> -> memref<1x100xi32, #tpu.memory_space<vmem>>
    %dma_start3A_101 = tpu.memref_squeeze %dma_start3A_100 : memref<1x100xi32, #tpu.memory_space<vmem>> -> memref<100xi32, #tpu.memory_space<vmem>>
    %dma_start3A_102 = arith.constant 0 : i32
    %dma_start3A_103 = arith.constant 0 : i32
    %dma_start3A_104 = tpu.memref_slice %arg2[%dma_start3A_102, %dma_start3A_103] : memref<10000x128xf32, #tpu.memory_space<hbm>> -> memref<10000x128xf32, #tpu.memory_space<hbm>>
    tpu.enqueue_indirect_dma source(%dma_start3A_104 : memref<10000x128xf32, #tpu.memory_space<hbm>>) target(%dma_start3A_98 : memref<100x128xf32, #tpu.memory_space<vmem>>) offsets(%dma_start3A_101 : memref<100xi32, #tpu.memory_space<vmem>>) semaphore(%arg11 : memref<!tpu.dma_semaphore, #tpu.memory_space<semaphore_mem>>)
    %dma_start3A_105 = arith.constant 1 : i32
    %dma_start3A_106 = arith.constant 1 : i32
    %dma_start3A_107 = arith.constant 0 : i32
    %dma_start3A_108 = arith.constant 0 : i32
    %dma_start3A_109 = tpu.memref_slice %arg9[%dma_start3A_106, %dma_start3A_107, %dma_start3A_108] : memref<3x100x128xf32, #tpu.memory_space<vmem>> -> memref<1x100x128xf32, #tpu.memory_space<vmem>>
    %dma_start3A_110 = tpu.memref_squeeze %dma_start3A_109 : memref<1x100x128xf32, #tpu.memory_space<vmem>> -> memref<100x128xf32, #tpu.memory_space<vmem>>
    %dma_start3A_111 = arith.constant 0 : i32
    %dma_start3A_112 = tpu.memref_slice %arg7[%dma_start3A_105, %dma_start3A_111] : memref<20x100xi32, #tpu.memory_space<vmem>> -> memref<1x100xi32, #tpu.memory_space<vmem>>
    %dma_start3A_113 = tpu.memref_squeeze %dma_start3A_112 : memref<1x100xi32, #tpu.memory_space<vmem>> -> memref<100xi32, #tpu.memory_space<vmem>>
    %dma_start3A_114 = arith.constant 0 : i32
    %dma_start3A_115 = arith.constant 0 : i32
    %dma_start3A_116 = tpu.memref_slice %arg2[%dma_start3A_114, %dma_start3A_115] : memref<10000x128xf32, #tpu.memory_space<hbm>> -> memref<10000x128xf32, #tpu.memory_space<hbm>>
    tpu.enqueue_indirect_dma source(%dma_start3A_116 : memref<10000x128xf32, #tpu.memory_space<hbm>>) target(%dma_start3A_110 : memref<100x128xf32, #tpu.memory_space<vmem>>) offsets(%dma_start3A_113 : memref<100xi32, #tpu.memory_space<vmem>>) semaphore(%arg11 : memref<!tpu.dma_semaphore, #tpu.memory_space<semaphore_mem>>)
    %scan3A_117 = arith.constant 0 : i32
    %scan3A_118 = arith.constant 20 : i32
    %scan3A_119 = arith.addi %scan3A_117, %scan3A_118 : i32
    %scan3A_120 = arith.constant 1 : i32
    scf.for %scan3A_154 = %scan3A_117 to %scan3A_119 step %scan3A_120  : i32 {
      %mul3A_155 = arith.constant 1 : i32
      %mul3A_156 = arith.muli %scan3A_154, %mul3A_155 : i32
      %add3A = arith.constant 0 : i32
      %add3A_157 = arith.addi %add3A, %mul3A_156 : i32
      %rem3A = arith.constant 3 : i32
      %rem3A_158 = arith.remsi %add3A_157, %rem3A : i32
      %dma_wait3A = arith.constant 0 : i32
      %dma_wait3A_159 = arith.constant 0 : i32
      %dma_wait3A_160 = tpu.memref_slice %arg9[%rem3A_158, %dma_wait3A, %dma_wait3A_159] : memref<3x100x128xf32, #tpu.memory_space<vmem>> -> memref<1x100x128xf32, #tpu.memory_space<vmem>>
      %dma_wait3A_161 = tpu.memref_squeeze %dma_wait3A_160 : memref<1x100x128xf32, #tpu.memory_space<vmem>> -> memref<100x128xf32, #tpu.memory_space<vmem>>
      %dma_wait3A_162 = arith.constant 0 : i32
      %dma_wait3A_163 = tpu.memref_slice %arg7[%add3A_157, %dma_wait3A_162] : memref<20x100xi32, #tpu.memory_space<vmem>> -> memref<1x100xi32, #tpu.memory_space<vmem>>
      %dma_wait3A_164 = tpu.memref_squeeze %dma_wait3A_163 : memref<1x100xi32, #tpu.memory_space<vmem>> -> memref<100xi32, #tpu.memory_space<vmem>>
      %dma_wait3A_165 = arith.constant 0 : i32
      %dma_wait3A_166 = arith.constant 0 : i32
      %dma_wait3A_167 = tpu.memref_slice %arg2[%dma_wait3A_165, %dma_wait3A_166] : memref<10000x128xf32, #tpu.memory_space<hbm>> -> memref<10000x128xf32, #tpu.memory_space<hbm>>
      tpu.wait_indirect_dma semaphore(%arg11 : memref<!tpu.dma_semaphore, #tpu.memory_space<semaphore_mem>>) src(%dma_wait3A_167 : memref<10000x128xf32, #tpu.memory_space<hbm>>) dst(%dma_wait3A_161 : memref<100x128xf32, #tpu.memory_space<vmem>>)
      %add3A_168 = arith.constant 2 : i32
      %add3A_169 = arith.addi %add3A_157, %add3A_168 : i32
      %lt3A = arith.constant 20 : i32
      %lt3A_170 = arith.cmpi slt, %add3A_169, %lt3A : i32
      %convert_element_type3A = arith.extui %lt3A_170 : i1 to i32
      %cond3A = arith.constant 0 : i32
      %cond3A_171 = arith.cmpi ne, %convert_element_type3A, %cond3A : i32
      scf.if %cond3A_171 {
        %add3A_172 = arith.constant 2 : i32
        %add3A_173 = arith.addi %add3A_157, %add3A_172 : i32
        %add3A_174 = arith.constant 2 : i32
        %add3A_175 = arith.addi %add3A_157, %add3A_174 : i32
        %rem3A_176 = arith.constant 3 : i32
        %rem3A_177 = arith.remsi %add3A_175, %rem3A_176 : i32
        %dma_start3A_178 = arith.constant 0 : i32
        %dma_start3A_179 = arith.constant 0 : i32
        %dma_start3A_180 = tpu.memref_slice %arg9[%rem3A_177, %dma_start3A_178, %dma_start3A_179] : memref<3x100x128xf32, #tpu.memory_space<vmem>> -> memref<1x100x128xf32, #tpu.memory_space<vmem>>
        %dma_start3A_181 = tpu.memref_squeeze %dma_start3A_180 : memref<1x100x128xf32, #tpu.memory_space<vmem>> -> memref<100x128xf32, #tpu.memory_space<vmem>>
        %dma_start3A_182 = arith.constant 0 : i32
        %dma_start3A_183 = tpu.memref_slice %arg7[%add3A_173, %dma_start3A_182] : memref<20x100xi32, #tpu.memory_space<vmem>> -> memref<1x100xi32, #tpu.memory_space<vmem>>
        %dma_start3A_184 = tpu.memref_squeeze %dma_start3A_183 : memref<1x100xi32, #tpu.memory_space<vmem>> -> memref<100xi32, #tpu.memory_space<vmem>>
        %dma_start3A_185 = arith.constant 0 : i32
        %dma_start3A_186 = arith.constant 0 : i32
        %dma_start3A_187 = tpu.memref_slice %arg2[%dma_start3A_185, %dma_start3A_186] : memref<10000x128xf32, #tpu.memory_space<hbm>> -> memref<10000x128xf32, #tpu.memory_space<hbm>>
        tpu.enqueue_indirect_dma source(%dma_start3A_187 : memref<10000x128xf32, #tpu.memory_space<hbm>>) target(%dma_start3A_181 : memref<100x128xf32, #tpu.memory_space<vmem>>) offsets(%dma_start3A_184 : memref<100xi32, #tpu.memory_space<vmem>>) semaphore(%arg11 : memref<!tpu.dma_semaphore, #tpu.memory_space<semaphore_mem>>)
      } else {
      }
      "tpu.region"() ({
        %run_scoped3A_172 = tpu.sem_alloc : memref<!tpu.dma_semaphore, #tpu.memory_space<semaphore_mem>>
        %dma_start3A_173 = arith.constant 0 : i32
        %dma_start3A_174 = arith.constant 0 : i32
        %dma_start3A_175 = tpu.memref_slice %arg9[%rem3A_158, %dma_start3A_173, %dma_start3A_174] : memref<3x100x128xf32, #tpu.memory_space<vmem>> -> memref<1x100x128xf32, #tpu.memory_space<vmem>>
        %dma_start3A_176 = tpu.memref_squeeze %dma_start3A_175 : memref<1x100x128xf32, #tpu.memory_space<vmem>> -> memref<100x128xf32, #tpu.memory_space<vmem>>
        %dma_start3A_177 = arith.constant 0 : i32
        %dma_start3A_178 = tpu.memref_slice %arg8[%add3A_157, %dma_start3A_177] : memref<20x100xi32, #tpu.memory_space<vmem>> -> memref<1x100xi32, #tpu.memory_space<vmem>>
        %dma_start3A_179 = tpu.memref_squeeze %dma_start3A_178 : memref<1x100xi32, #tpu.memory_space<vmem>> -> memref<100xi32, #tpu.memory_space<vmem>>
        %dma_start3A_180 = arith.constant 0 : i32
        %dma_start3A_181 = arith.constant 0 : i32
        %dma_start3A_182 = tpu.memref_slice %arg10[%dma_start3A_180, %dma_start3A_181] : memref<10240x128xf32, #tpu.memory_space<vmem_shared>> -> memref<10240x128xf32, #tpu.memory_space<vmem_shared>>
        tpu.enqueue_indirect_dma source(%dma_start3A_176 : memref<100x128xf32, #tpu.memory_space<vmem>>) target(%dma_start3A_182 : memref<10240x128xf32, #tpu.memory_space<vmem_shared>>) offsets(%dma_start3A_179 : memref<100xi32, #tpu.memory_space<vmem>>) semaphore(%run_scoped3A_172 : memref<!tpu.dma_semaphore, #tpu.memory_space<semaphore_mem>>) {add = true}
        %dma_wait3A_183 = arith.constant 0 : i32
        %dma_wait3A_184 = arith.constant 0 : i32
        %dma_wait3A_185 = tpu.memref_slice %arg9[%rem3A_158, %dma_wait3A_183, %dma_wait3A_184] : memref<3x100x128xf32, #tpu.memory_space<vmem>> -> memref<1x100x128xf32, #tpu.memory_space<vmem>>
        %dma_wait3A_186 = tpu.memref_squeeze %dma_wait3A_185 : memref<1x100x128xf32, #tpu.memory_space<vmem>> -> memref<100x128xf32, #tpu.memory_space<vmem>>
        %dma_wait3A_187 = arith.constant 0 : i32
        %dma_wait3A_188 = tpu.memref_slice %arg8[%add3A_157, %dma_wait3A_187] : memref<20x100xi32, #tpu.memory_space<vmem>> -> memref<1x100xi32, #tpu.memory_space<vmem>>
        %dma_wait3A_189 = tpu.memref_squeeze %dma_wait3A_188 : memref<1x100xi32, #tpu.memory_space<vmem>> -> memref<100xi32, #tpu.memory_space<vmem>>
        %dma_wait3A_190 = arith.constant 0 : i32
        %dma_wait3A_191 = arith.constant 0 : i32
        %dma_wait3A_192 = tpu.memref_slice %arg10[%dma_wait3A_190, %dma_wait3A_191] : memref<10240x128xf32, #tpu.memory_space<vmem_shared>> -> memref<10240x128xf32, #tpu.memory_space<vmem_shared>>
        tpu.wait_indirect_dma semaphore(%run_scoped3A_172 : memref<!tpu.dma_semaphore, #tpu.memory_space<semaphore_mem>>) src(%dma_wait3A_186 : memref<100x128xf32, #tpu.memory_space<vmem>>) dst(%dma_wait3A_192 : memref<10240x128xf32, #tpu.memory_space<vmem_shared>>)
        tpu.yield
      }) : () -> ()
    }
    %scan3A_121 = arith.constant 20 : i32
    %run_scoped3A_122 = arith.constant 4 : i32
    "tpu.region"() ({
      %run_scoped3A_154 = tpu.sem_alloc : memref<!tpu.dma_semaphore, #tpu.memory_space<semaphore_mem>>
      %dma_start3A_155 = arith.constant 0 : i32
      %dma_start3A_156 = arith.constant 0 : i32
      %dma_start3A_157 = tpu.memref_slice %arg3[%arg0, %arg1, %run_scoped3A_122, %dma_start3A_155, %dma_start3A_156] : memref<2x16x5x20x100xi32, #tpu.memory_space<hbm>> -> memref<1x1x1x20x100xi32, #tpu.memory_space<hbm>>
      %dma_start3A_158 = tpu.memref_squeeze %dma_start3A_157 : memref<1x1x1x20x100xi32, #tpu.memory_space<hbm>> -> memref<20x100xi32, #tpu.memory_space<hbm>>
      %dma_start3A_159 = arith.constant 0 : i32
      %dma_start3A_160 = arith.constant 0 : i32
      %dma_start3A_161 = tpu.memref_slice %arg3[%arg0, %arg1, %run_scoped3A_122, %dma_start3A_159, %dma_start3A_160] : memref<2x16x5x20x100xi32, #tpu.memory_space<hbm>> -> memref<1x1x1x20x100xi32, #tpu.memory_space<hbm>>
      %dma_start3A_162 = tpu.memref_squeeze %dma_start3A_161 : memref<1x1x1x20x100xi32, #tpu.memory_space<hbm>> -> memref<20x100xi32, #tpu.memory_space<hbm>>
      tpu.enqueue_dma source(%dma_start3A_162 : memref<20x100xi32, #tpu.memory_space<hbm>>) target(%arg7 : memref<20x100xi32, #tpu.memory_space<vmem>>) target_semaphore(%run_scoped3A_154 : memref<!tpu.dma_semaphore, #tpu.memory_space<semaphore_mem>>)
      %dma_wait3A = arith.constant 0 : i32
      %dma_wait3A_163 = arith.constant 0 : i32
      %dma_wait3A_164 = tpu.memref_slice %arg3[%arg0, %arg1, %run_scoped3A_122, %dma_wait3A, %dma_wait3A_163] : memref<2x16x5x20x100xi32, #tpu.memory_space<hbm>> -> memref<1x1x1x20x100xi32, #tpu.memory_space<hbm>>
      %dma_wait3A_165 = tpu.memref_squeeze %dma_wait3A_164 : memref<1x1x1x20x100xi32, #tpu.memory_space<hbm>> -> memref<20x100xi32, #tpu.memory_space<hbm>>
      %dma_wait3A_166 = arith.constant 0 : i32
      %dma_wait3A_167 = arith.constant 0 : i32
      %dma_wait3A_168 = tpu.memref_slice %arg3[%arg0, %arg1, %run_scoped3A_122, %dma_wait3A_166, %dma_wait3A_167] : memref<2x16x5x20x100xi32, #tpu.memory_space<hbm>> -> memref<1x1x1x20x100xi32, #tpu.memory_space<hbm>>
      %dma_wait3A_169 = tpu.memref_squeeze %dma_wait3A_168 : memref<1x1x1x20x100xi32, #tpu.memory_space<hbm>> -> memref<20x100xi32, #tpu.memory_space<hbm>>
      tpu.wait_dma2 semaphore(%run_scoped3A_154 : memref<!tpu.dma_semaphore, #tpu.memory_space<semaphore_mem>>) src(%dma_wait3A_169 : memref<20x100xi32, #tpu.memory_space<hbm>>) dst(%arg7 : memref<20x100xi32, #tpu.memory_space<vmem>>)
      tpu.yield
    }) : () -> ()
    %run_scoped3A_123 = arith.constant 4 : i32
    "tpu.region"() ({
      %run_scoped3A_154 = tpu.sem_alloc : memref<!tpu.dma_semaphore, #tpu.memory_space<semaphore_mem>>
      %dma_start3A_155 = arith.constant 0 : i32
      %dma_start3A_156 = arith.constant 0 : i32
      %dma_start3A_157 = tpu.memref_slice %arg4[%arg0, %arg1, %run_scoped3A_123, %dma_start3A_155, %dma_start3A_156] : memref<2x16x5x20x100xi32, #tpu.memory_space<hbm>> -> memref<1x1x1x20x100xi32, #tpu.memory_space<hbm>>
      %dma_start3A_158 = tpu.memref_squeeze %dma_start3A_157 : memref<1x1x1x20x100xi32, #tpu.memory_space<hbm>> -> memref<20x100xi32, #tpu.memory_space<hbm>>
      %dma_start3A_159 = arith.constant 0 : i32
      %dma_start3A_160 = arith.constant 0 : i32
      %dma_start3A_161 = tpu.memref_slice %arg4[%arg0, %arg1, %run_scoped3A_123, %dma_start3A_159, %dma_start3A_160] : memref<2x16x5x20x100xi32, #tpu.memory_space<hbm>> -> memref<1x1x1x20x100xi32, #tpu.memory_space<hbm>>
      %dma_start3A_162 = tpu.memref_squeeze %dma_start3A_161 : memref<1x1x1x20x100xi32, #tpu.memory_space<hbm>> -> memref<20x100xi32, #tpu.memory_space<hbm>>
      tpu.enqueue_dma source(%dma_start3A_162 : memref<20x100xi32, #tpu.memory_space<hbm>>) target(%arg8 : memref<20x100xi32, #tpu.memory_space<vmem>>) target_semaphore(%run_scoped3A_154 : memref<!tpu.dma_semaphore, #tpu.memory_space<semaphore_mem>>)
      %dma_wait3A = arith.constant 0 : i32
      %dma_wait3A_163 = arith.constant 0 : i32
      %dma_wait3A_164 = tpu.memref_slice %arg4[%arg0, %arg1, %run_scoped3A_123, %dma_wait3A, %dma_wait3A_163] : memref<2x16x5x20x100xi32, #tpu.memory_space<hbm>> -> memref<1x1x1x20x100xi32, #tpu.memory_space<hbm>>
      %dma_wait3A_165 = tpu.memref_squeeze %dma_wait3A_164 : memref<1x1x1x20x100xi32, #tpu.memory_space<hbm>> -> memref<20x100xi32, #tpu.memory_space<hbm>>
      %dma_wait3A_166 = arith.constant 0 : i32
      %dma_wait3A_167 = arith.constant 0 : i32
      %dma_wait3A_168 = tpu.memref_slice %arg4[%arg0, %arg1, %run_scoped3A_123, %dma_wait3A_166, %dma_wait3A_167] : memref<2x16x5x20x100xi32, #tpu.memory_space<hbm>> -> memref<1x1x1x20x100xi32, #tpu.memory_space<hbm>>
      %dma_wait3A_169 = tpu.memref_squeeze %dma_wait3A_168 : memref<1x1x1x20x100xi32, #tpu.memory_space<hbm>> -> memref<20x100xi32, #tpu.memory_space<hbm>>
      tpu.wait_dma2 semaphore(%run_scoped3A_154 : memref<!tpu.dma_semaphore, #tpu.memory_space<semaphore_mem>>) src(%dma_wait3A_169 : memref<20x100xi32, #tpu.memory_space<hbm>>) dst(%arg8 : memref<20x100xi32, #tpu.memory_space<vmem>>)
      tpu.yield
    }) : () -> ()
    %dma_start3A_124 = arith.constant 0 : i32
    %dma_start3A_125 = arith.constant 0 : i32
    %dma_start3A_126 = arith.constant 0 : i32
    %dma_start3A_127 = arith.constant 0 : i32
    %dma_start3A_128 = tpu.memref_slice %arg9[%dma_start3A_125, %dma_start3A_126, %dma_start3A_127] : memref<3x100x128xf32, #tpu.memory_space<vmem>> -> memref<1x100x128xf32, #tpu.memory_space<vmem>>
    %dma_start3A_129 = tpu.memref_squeeze %dma_start3A_128 : memref<1x100x128xf32, #tpu.memory_space<vmem>> -> memref<100x128xf32, #tpu.memory_space<vmem>>
    %dma_start3A_130 = arith.constant 0 : i32
    %dma_start3A_131 = tpu.memref_slice %arg7[%dma_start3A_124, %dma_start3A_130] : memref<20x100xi32, #tpu.memory_space<vmem>> -> memref<1x100xi32, #tpu.memory_space<vmem>>
    %dma_start3A_132 = tpu.memref_squeeze %dma_start3A_131 : memref<1x100xi32, #tpu.memory_space<vmem>> -> memref<100xi32, #tpu.memory_space<vmem>>
    %dma_start3A_133 = arith.constant 0 : i32
    %dma_start3A_134 = arith.constant 0 : i32
    %dma_start3A_135 = tpu.memref_slice %arg2[%dma_start3A_133, %dma_start3A_134] : memref<10000x128xf32, #tpu.memory_space<hbm>> -> memref<10000x128xf32, #tpu.memory_space<hbm>>
    tpu.enqueue_indirect_dma source(%dma_start3A_135 : memref<10000x128xf32, #tpu.memory_space<hbm>>) target(%dma_start3A_129 : memref<100x128xf32, #tpu.memory_space<vmem>>) offsets(%dma_start3A_132 : memref<100xi32, #tpu.memory_space<vmem>>) semaphore(%arg11 : memref<!tpu.dma_semaphore, #tpu.memory_space<semaphore_mem>>)
    %dma_start3A_136 = arith.constant 1 : i32
    %dma_start3A_137 = arith.constant 1 : i32
    %dma_start3A_138 = arith.constant 0 : i32
    %dma_start3A_139 = arith.constant 0 : i32
    %dma_start3A_140 = tpu.memref_slice %arg9[%dma_start3A_137, %dma_start3A_138, %dma_start3A_139] : memref<3x100x128xf32, #tpu.memory_space<vmem>> -> memref<1x100x128xf32, #tpu.memory_space<vmem>>
    %dma_start3A_141 = tpu.memref_squeeze %dma_start3A_140 : memref<1x100x128xf32, #tpu.memory_space<vmem>> -> memref<100x128xf32, #tpu.memory_space<vmem>>
    %dma_start3A_142 = arith.constant 0 : i32
    %dma_start3A_143 = tpu.memref_slice %arg7[%dma_start3A_136, %dma_start3A_142] : memref<20x100xi32, #tpu.memory_space<vmem>> -> memref<1x100xi32, #tpu.memory_space<vmem>>
    %dma_start3A_144 = tpu.memref_squeeze %dma_start3A_143 : memref<1x100xi32, #tpu.memory_space<vmem>> -> memref<100xi32, #tpu.memory_space<vmem>>
    %dma_start3A_145 = arith.constant 0 : i32
    %dma_start3A_146 = arith.constant 0 : i32
    %dma_start3A_147 = tpu.memref_slice %arg2[%dma_start3A_145, %dma_start3A_146] : memref<10000x128xf32, #tpu.memory_space<hbm>> -> memref<10000x128xf32, #tpu.memory_space<hbm>>
    tpu.enqueue_indirect_dma source(%dma_start3A_147 : memref<10000x128xf32, #tpu.memory_space<hbm>>) target(%dma_start3A_141 : memref<100x128xf32, #tpu.memory_space<vmem>>) offsets(%dma_start3A_144 : memref<100xi32, #tpu.memory_space<vmem>>) semaphore(%arg11 : memref<!tpu.dma_semaphore, #tpu.memory_space<semaphore_mem>>)
    %scan3A_148 = arith.constant 0 : i32
    %scan3A_149 = arith.constant 20 : i32
    %scan3A_150 = arith.addi %scan3A_148, %scan3A_149 : i32
    %scan3A_151 = arith.constant 1 : i32
    scf.for %scan3A_154 = %scan3A_148 to %scan3A_150 step %scan3A_151  : i32 {
      %mul3A_155 = arith.constant 1 : i32
      %mul3A_156 = arith.muli %scan3A_154, %mul3A_155 : i32
      %add3A = arith.constant 0 : i32
      %add3A_157 = arith.addi %add3A, %mul3A_156 : i32
      %rem3A = arith.constant 3 : i32
      %rem3A_158 = arith.remsi %add3A_157, %rem3A : i32
      %dma_wait3A = arith.constant 0 : i32
      %dma_wait3A_159 = arith.constant 0 : i32
      %dma_wait3A_160 = tpu.memref_slice %arg9[%rem3A_158, %dma_wait3A, %dma_wait3A_159] : memref<3x100x128xf32, #tpu.memory_space<vmem>> -> memref<1x100x128xf32, #tpu.memory_space<vmem>>
      %dma_wait3A_161 = tpu.memref_squeeze %dma_wait3A_160 : memref<1x100x128xf32, #tpu.memory_space<vmem>> -> memref<100x128xf32, #tpu.memory_space<vmem>>
      %dma_wait3A_162 = arith.constant 0 : i32
      %dma_wait3A_163 = tpu.memref_slice %arg7[%add3A_157, %dma_wait3A_162] : memref<20x100xi32, #tpu.memory_space<vmem>> -> memref<1x100xi32, #tpu.memory_space<vmem>>
      %dma_wait3A_164 = tpu.memref_squeeze %dma_wait3A_163 : memref<1x100xi32, #tpu.memory_space<vmem>> -> memref<100xi32, #tpu.memory_space<vmem>>
      %dma_wait3A_165 = arith.constant 0 : i32
      %dma_wait3A_166 = arith.constant 0 : i32
      %dma_wait3A_167 = tpu.memref_slice %arg2[%dma_wait3A_165, %dma_wait3A_166] : memref<10000x128xf32, #tpu.memory_space<hbm>> -> memref<10000x128xf32, #tpu.memory_space<hbm>>
      tpu.wait_indirect_dma semaphore(%arg11 : memref<!tpu.dma_semaphore, #tpu.memory_space<semaphore_mem>>) src(%dma_wait3A_167 : memref<10000x128xf32, #tpu.memory_space<hbm>>) dst(%dma_wait3A_161 : memref<100x128xf32, #tpu.memory_space<vmem>>)
      %add3A_168 = arith.constant 2 : i32
      %add3A_169 = arith.addi %add3A_157, %add3A_168 : i32
      %lt3A = arith.constant 20 : i32
      %lt3A_170 = arith.cmpi slt, %add3A_169, %lt3A : i32
      %convert_element_type3A = arith.extui %lt3A_170 : i1 to i32
      %cond3A = arith.constant 0 : i32
      %cond3A_171 = arith.cmpi ne, %convert_element_type3A, %cond3A : i32
      scf.if %cond3A_171 {
        %add3A_172 = arith.constant 2 : i32
        %add3A_173 = arith.addi %add3A_157, %add3A_172 : i32
        %add3A_174 = arith.constant 2 : i32
        %add3A_175 = arith.addi %add3A_157, %add3A_174 : i32
        %rem3A_176 = arith.constant 3 : i32
        %rem3A_177 = arith.remsi %add3A_175, %rem3A_176 : i32
        %dma_start3A_178 = arith.constant 0 : i32
        %dma_start3A_179 = arith.constant 0 : i32
        %dma_start3A_180 = tpu.memref_slice %arg9[%rem3A_177, %dma_start3A_178, %dma_start3A_179] : memref<3x100x128xf32, #tpu.memory_space<vmem>> -> memref<1x100x128xf32, #tpu.memory_space<vmem>>
        %dma_start3A_181 = tpu.memref_squeeze %dma_start3A_180 : memref<1x100x128xf32, #tpu.memory_space<vmem>> -> memref<100x128xf32, #tpu.memory_space<vmem>>
        %dma_start3A_182 = arith.constant 0 : i32
        %dma_start3A_183 = tpu.memref_slice %arg7[%add3A_173, %dma_start3A_182] : memref<20x100xi32, #tpu.memory_space<vmem>> -> memref<1x100xi32, #tpu.memory_space<vmem>>
        %dma_start3A_184 = tpu.memref_squeeze %dma_start3A_183 : memref<1x100xi32, #tpu.memory_space<vmem>> -> memref<100xi32, #tpu.memory_space<vmem>>
        %dma_start3A_185 = arith.constant 0 : i32
        %dma_start3A_186 = arith.constant 0 : i32
        %dma_start3A_187 = tpu.memref_slice %arg2[%dma_start3A_185, %dma_start3A_186] : memref<10000x128xf32, #tpu.memory_space<hbm>> -> memref<10000x128xf32, #tpu.memory_space<hbm>>
        tpu.enqueue_indirect_dma source(%dma_start3A_187 : memref<10000x128xf32, #tpu.memory_space<hbm>>) target(%dma_start3A_181 : memref<100x128xf32, #tpu.memory_space<vmem>>) offsets(%dma_start3A_184 : memref<100xi32, #tpu.memory_space<vmem>>) semaphore(%arg11 : memref<!tpu.dma_semaphore, #tpu.memory_space<semaphore_mem>>)
      } else {
      }
      "tpu.region"() ({
        %run_scoped3A_172 = tpu.sem_alloc : memref<!tpu.dma_semaphore, #tpu.memory_space<semaphore_mem>>
        %dma_start3A_173 = arith.constant 0 : i32
        %dma_start3A_174 = arith.constant 0 : i32
        %dma_start3A_175 = tpu.memref_slice %arg9[%rem3A_158, %dma_start3A_173, %dma_start3A_174] : memref<3x100x128xf32, #tpu.memory_space<vmem>> -> memref<1x100x128xf32, #tpu.memory_space<vmem>>
        %dma_start3A_176 = tpu.memref_squeeze %dma_start3A_175 : memref<1x100x128xf32, #tpu.memory_space<vmem>> -> memref<100x128xf32, #tpu.memory_space<vmem>>
        %dma_start3A_177 = arith.constant 0 : i32
        %dma_start3A_178 = tpu.memref_slice %arg8[%add3A_157, %dma_start3A_177] : memref<20x100xi32, #tpu.memory_space<vmem>> -> memref<1x100xi32, #tpu.memory_space<vmem>>
        %dma_start3A_179 = tpu.memref_squeeze %dma_start3A_178 : memref<1x100xi32, #tpu.memory_space<vmem>> -> memref<100xi32, #tpu.memory_space<vmem>>
        %dma_start3A_180 = arith.constant 0 : i32
        %dma_start3A_181 = arith.constant 0 : i32
        %dma_start3A_182 = tpu.memref_slice %arg10[%dma_start3A_180, %dma_start3A_181] : memref<10240x128xf32, #tpu.memory_space<vmem_shared>> -> memref<10240x128xf32, #tpu.memory_space<vmem_shared>>
        tpu.enqueue_indirect_dma source(%dma_start3A_176 : memref<100x128xf32, #tpu.memory_space<vmem>>) target(%dma_start3A_182 : memref<10240x128xf32, #tpu.memory_space<vmem_shared>>) offsets(%dma_start3A_179 : memref<100xi32, #tpu.memory_space<vmem>>) semaphore(%run_scoped3A_172 : memref<!tpu.dma_semaphore, #tpu.memory_space<semaphore_mem>>) {add = true}
        %dma_wait3A_183 = arith.constant 0 : i32
        %dma_wait3A_184 = arith.constant 0 : i32
        %dma_wait3A_185 = tpu.memref_slice %arg9[%rem3A_158, %dma_wait3A_183, %dma_wait3A_184] : memref<3x100x128xf32, #tpu.memory_space<vmem>> -> memref<1x100x128xf32, #tpu.memory_space<vmem>>
        %dma_wait3A_186 = tpu.memref_squeeze %dma_wait3A_185 : memref<1x100x128xf32, #tpu.memory_space<vmem>> -> memref<100x128xf32, #tpu.memory_space<vmem>>
        %dma_wait3A_187 = arith.constant 0 : i32
        %dma_wait3A_188 = tpu.memref_slice %arg8[%add3A_157, %dma_wait3A_187] : memref<20x100xi32, #tpu.memory_space<vmem>> -> memref<1x100xi32, #tpu.memory_space<vmem>>
        %dma_wait3A_189 = tpu.memref_squeeze %dma_wait3A_188 : memref<1x100xi32, #tpu.memory_space<vmem>> -> memref<100xi32, #tpu.memory_space<vmem>>
        %dma_wait3A_190 = arith.constant 0 : i32
        %dma_wait3A_191 = arith.constant 0 : i32
        %dma_wait3A_192 = tpu.memref_slice %arg10[%dma_wait3A_190, %dma_wait3A_191] : memref<10240x128xf32, #tpu.memory_space<vmem_shared>> -> memref<10240x128xf32, #tpu.memory_space<vmem_shared>>
        tpu.wait_indirect_dma semaphore(%run_scoped3A_172 : memref<!tpu.dma_semaphore, #tpu.memory_space<semaphore_mem>>) src(%dma_wait3A_186 : memref<100x128xf32, #tpu.memory_space<vmem>>) dst(%dma_wait3A_192 : memref<10240x128xf32, #tpu.memory_space<vmem_shared>>)
        tpu.yield
      }) : () -> ()
    }
    %scan3A_152 = arith.constant 20 : i32
    %barrier3A_153 = arith.constant 0 : index
    tpu.barrier barrier_id(%barrier3A_153)
    "tpu.region"() ({
      %run_scoped3A_154 = tpu.sem_alloc : memref<!tpu.dma_semaphore, #tpu.memory_space<semaphore_mem>>
      %dma_start3A_155 = arith.constant 0 : i32
      %dma_start3A_156 = tpu.memref_slice %arg6[%arg0, %mul3A_0, %dma_start3A_155] : memref<2x10240x128xf32, #tpu.memory_space<hbm>> -> memref<1x640x128xf32, #tpu.memory_space<hbm>>
      %dma_start3A_157 = tpu.memref_squeeze %dma_start3A_156 : memref<1x640x128xf32, #tpu.memory_space<hbm>> -> memref<640x128xf32, #tpu.memory_space<hbm>>
      %dma_start3A_158 = arith.constant 0 : i32
      %dma_start3A_159 = tpu.memref_slice %arg10[%mul3A_0, %dma_start3A_158] : memref<10240x128xf32, #tpu.memory_space<vmem_shared>> -> memref<640x128xf32, #tpu.memory_space<vmem_shared>>
      tpu.enqueue_dma source(%dma_start3A_159 : memref<640x128xf32, #tpu.memory_space<vmem_shared>>) target(%dma_start3A_157 : memref<640x128xf32, #tpu.memory_space<hbm>>) target_semaphore(%run_scoped3A_154 : memref<!tpu.dma_semaphore, #tpu.memory_space<semaphore_mem>>)
      %dma_wait3A = arith.constant 0 : i32
      %dma_wait3A_160 = tpu.memref_slice %arg6[%arg0, %mul3A_0, %dma_wait3A] : memref<2x10240x128xf32, #tpu.memory_space<hbm>> -> memref<1x640x128xf32, #tpu.memory_space<hbm>>
      %dma_wait3A_161 = tpu.memref_squeeze %dma_wait3A_160 : memref<1x640x128xf32, #tpu.memory_space<hbm>> -> memref<640x128xf32, #tpu.memory_space<hbm>>
      %dma_wait3A_162 = arith.constant 0 : i32
      %dma_wait3A_163 = tpu.memref_slice %arg10[%mul3A_0, %dma_wait3A_162] : memref<10240x128xf32, #tpu.memory_space<vmem_shared>> -> memref<640x128xf32, #tpu.memory_space<vmem_shared>>
      tpu.wait_dma2 semaphore(%run_scoped3A_154 : memref<!tpu.dma_semaphore, #tpu.memory_space<semaphore_mem>>) src(%dma_wait3A_163 : memref<640x128xf32, #tpu.memory_space<vmem_shared>>) dst(%dma_wait3A_161 : memref<640x128xf32, #tpu.memory_space<hbm>>)
      tpu.yield
    }) : () -> ()
    return
  }
}

module attributes {stable_mosaic.version = 14 : i64} {
  func.func @_softmax_body(%arg0: i32, %arg1: memref<2000x128xf32, #tpu.memory_space<vmem>>, %arg2: memref<2000x128xf32, #tpu.memory_space<vmem>>) attributes {dimension_semantics = [#tpu.dimension_semantics<arbitrary>], iteration_bounds = array<i64: 5>, scalar_prefetch = 0 : i64, scratch_operands = 0 : i64, tpu.core_type = #tpu.core_type<tc>, window_params = [{transform_indices = @transform_0, window_bounds = array<i64: 2000, 128>}, {transform_indices = @transform_1, window_bounds = array<i64: 2000, 128>}]} {
    %get3A = arith.constant 0 : index
    %get3A_0 = arith.constant 0 : index
    %get3A_1 = vector.load %arg1[%get3A, %get3A_0] : memref<2000x128xf32, #tpu.memory_space<vmem>>, vector<2000x128xf32>
    %reduce_max3A = arith.constant dense<0xFF800000> : vector<2000xf32>
    %reduce_max3A_2 = vector.multi_reduction <maximumf>, %get3A_1, %reduce_max3A [1] : vector<2000x128xf32> to vector<2000xf32>
    %broadcast_in_dim3A = vector.shape_cast %reduce_max3A_2 : vector<2000xf32> to vector<2000x1xf32>
    %sub3A = vector.broadcast %broadcast_in_dim3A : vector<2000x1xf32> to vector<2000x128xf32>
    %sub3A_3 = arith.subf %get3A_1, %sub3A : vector<2000x128xf32>
    %exp3A = math.exp %sub3A_3 : vector<2000x128xf32>
    %reduce_sum3A = arith.constant dense<0.000000e+00> : vector<2000xf32>
    %reduce_sum3A_4 = vector.multi_reduction <add>, %exp3A, %reduce_sum3A [1] : vector<2000x128xf32> to vector<2000xf32>
    %broadcast_in_dim3A_5 = vector.shape_cast %reduce_sum3A_4 : vector<2000xf32> to vector<2000x1xf32>
    %div3A = vector.broadcast %broadcast_in_dim3A_5 : vector<2000x1xf32> to vector<2000x128xf32>
    %div3A_6 = arith.divf %exp3A, %div3A : vector<2000x128xf32>
    %swap3A = arith.constant 0 : index
    %swap3A_7 = arith.constant 0 : index
    %swap3A_8 = vector.load %arg2[%swap3A, %swap3A_7] : memref<2000x128xf32, #tpu.memory_space<vmem>>, vector<2000x128xf32>
    tpu.vector_store %arg2[%swap3A, %swap3A_7], %div3A_6 {strides = array<i32>} : memref<2000x128xf32, #tpu.memory_space<vmem>>, vector<2000x128xf32>,
    return
  }
  func.func @transform_0(%arg0: i32) -> (i32, i32) {
    %c0_i32 = arith.constant 0 : i32
    %c0_i32_0 = arith.constant 0 : i32
    return %arg0, %c0_i32 : i32, i32
  }
  func.func @transform_1(%arg0: i32) -> (i32, i32) {
    %c0_i32 = arith.constant 0 : i32
    %c0_i32_0 = arith.constant 0 : i32
    return %arg0, %c0_i32 : i32, i32
  }
}

module attributes {stable_mosaic.version = 14 : i64} {
  func.func @_mm_body(%arg0: i32, %arg1: memref<2x2048x128xf32, #tpu.memory_space<vmem>>, %arg2: memref<128x128xf32, #tpu.memory_space<vmem>>, %arg3: memref<128x128xf32, #tpu.memory_space<vmem>>, %arg4: memref<2048x128xf32, #tpu.memory_space<vmem>>) attributes {dimension_semantics = [#tpu.dimension_semantics<arbitrary>], iteration_bounds = array<i64: 5>, scalar_prefetch = 0 : i64, scratch_operands = 0 : i64, tpu.core_type = #tpu.core_type<tc>, window_params = [{transform_indices = @transform_0, window_bounds = array<i64: 2, 2048, 128>}, {pipeline_mode = #tpu.pipeline_mode<synchronous>, transform_indices = @transform_1, window_bounds = array<i64: 128, 128>}, {pipeline_mode = #tpu.pipeline_mode<synchronous>, transform_indices = @transform_2, window_bounds = array<i64: 128, 128>}, {transform_indices = @transform_3, window_bounds = array<i64: 2048, 128>}]} {
    %get3A = arith.constant 0 : index
    %get3A_0 = arith.constant 0 : index
    %get3A_1 = vector.load %arg2[%get3A, %get3A_0] : memref<128x128xf32, #tpu.memory_space<vmem>>, vector<128x128xf32>
    %get3A_2 = arith.constant 0 : index
    %get3A_3 = arith.constant 0 : index
    %get3A_4 = vector.load %arg3[%get3A_2, %get3A_3] : memref<128x128xf32, #tpu.memory_space<vmem>>, vector<128x128xf32>
    %custom_jvp_call3A = arith.constant 0.000000e+00 : f32
    %max3A = vector.broadcast %custom_jvp_call3A : f32 to vector<128x128xf32>
    %max3A_5 = arith.maximumf %get3A_4, %max3A : vector<128x128xf32>
    %sub3A = vector.broadcast %custom_jvp_call3A : f32 to vector<128x128xf32>
    %sub3A_6 = arith.subf %get3A_4, %sub3A : vector<128x128xf32>
    %ne3A = arith.cmpf one, %sub3A_6, %sub3A_6 : vector<128x128xf32>
    %add3A = vector.broadcast %custom_jvp_call3A : f32 to vector<128x128xf32>
    %add3A_7 = arith.addf %get3A_4, %add3A : vector<128x128xf32>
    %abs3A = math.absf %sub3A_6 : vector<128x128xf32>
    %neg3A = arith.constant 0.000000e+00 : f32
    %neg3A_8 = vector.broadcast %neg3A : f32 to vector<128x128xf32>
    %neg3A_9 = arith.subf %neg3A_8, %abs3A : vector<128x128xf32>
    %exp3A = math.exp %neg3A_9 : vector<128x128xf32>
    %log1p3A = math.log1p %exp3A : vector<128x128xf32>
    %add3A_10 = arith.addf %max3A_5, %log1p3A : vector<128x128xf32>
    %select_n3A = arith.select %ne3A, %add3A_7, %add3A_10 : vector<128x128xi1>, vector<128x128xf32>
    %sub3A_11 = arith.subf %get3A_1, %select_n3A : vector<128x128xf32>
    %get3A_12 = arith.constant 0 : index
    %get3A_13 = arith.constant 0 : index
    %get3A_14 = arith.constant 0 : index
    %get3A_15 = vector.load %arg1[%get3A_12, %get3A_13, %get3A_14] : memref<2x2048x128xf32, #tpu.memory_space<vmem>>, vector<1x2048x128xf32>
    %get3A_16 = vector.shape_cast %get3A_15 : vector<1x2048x128xf32> to vector<2048x128xf32>
    %get3A_17 = arith.constant 1 : index
    %get3A_18 = arith.constant 0 : index
    %get3A_19 = arith.constant 0 : index
    %get3A_20 = vector.load %arg1[%get3A_17, %get3A_18, %get3A_19] : memref<2x2048x128xf32, #tpu.memory_space<vmem>>, vector<1x2048x128xf32>
    %get3A_21 = vector.shape_cast %get3A_20 : vector<1x2048x128xf32> to vector<2048x128xf32>
    %add3A_22 = arith.addf %get3A_16, %get3A_21 : vector<2048x128xf32>
    %dot_general3A = arith.constant dense<0.000000e+00> : vector<2048x128xf32>
    %dot_general3A_23 = tpu.matmul %add3A_22, %sub3A_11, %dot_general3A {dimension_numbers = #tpu.dot_dimension_numbers<[1], [0], [0], [1], [0, 0, 1, 1], [], []>, transpose_lhs_hint = false} : vector<2048x128xf32>, vector<128x128xf32>, vector<2048x128xf32> -> vector<2048x128xf32>
    %swap3A = arith.constant 0 : index
    %swap3A_24 = arith.constant 0 : index
    %swap3A_25 = vector.load %arg4[%swap3A, %swap3A_24] : memref<2048x128xf32, #tpu.memory_space<vmem>>, vector<2048x128xf32>
    tpu.vector_store %arg4[%swap3A, %swap3A_24], %dot_general3A_23 {strides = array<i32>} : memref<2048x128xf32, #tpu.memory_space<vmem>>, vector<2048x128xf32>,
    return
  }
  func.func @transform_0(%arg0: i32) -> (i32, i32, i32) {
    %c0_i32 = arith.constant 0 : i32
    %c0_i32_0 = arith.constant 0 : i32
    %c0_i32_1 = arith.constant 0 : i32
    return %c0_i32, %arg0, %c0_i32_0 : i32, i32, i32
  }
  func.func @transform_1(%arg0: i32) -> (i32, i32) {
    %c0_i32 = arith.constant 0 : i32
    %c0_i32_0 = arith.constant 0 : i32
    %c0_i32_1 = arith.constant 0 : i32
    return %c0_i32, %c0_i32_0 : i32, i32
  }
  func.func @transform_2(%arg0: i32) -> (i32, i32) {
    %c0_i32 = arith.constant 0 : i32
    %c0_i32_0 = arith.constant 0 : i32
    %c0_i32_1 = arith.constant 0 : i32
    return %c0_i32, %c0_i32_0 : i32, i32
  }
  func.func @transform_3(%arg0: i32) -> (i32, i32) {
    %c0_i32 = arith.constant 0 : i32
    %c0_i32_0 = arith.constant 0 : i32
    return %arg0, %c0_i32 : i32, i32
  }
}

</mosaic_0001>

<sc_bundles>
// kernel: kernel.5.cloned.1.call-start
scs
__scs_entry_jumppad:
0x0: {  	(pc) =	sbr.rel $0x88, $3  }
0x1: {  	(tag) =	ssettag $0x0;
	lr =	simm.s32 $0x1  }
0x2: {  	[smem:$0x3F9D] =	sst lr;
	_ =	strace $0xD0000000  }
0x3: {  	_ = 	snop  }
0x4: {  	_ = 	snop  }
0x5: {  	_ = 	snop  }
0x6: {  	_ = 	snop  }
0x7: {  	_ = 	snop  }
__scs_overlays_trampoline_lowered:
0x8: {  	[smem:$0x3FAC] =	sst s0  }
0x9: {  	[smem:$0x3FAD] =	sst s1  }
0xa: {  	[smem:$0x3FAE] =	sst s2  }
0xb: {  	[smem:$0x3FAF] =	sst s3  }
0xc: {  	[smem:$0x3FB0] =	sst s4  }
0xd: {  	[smem:$0x3FB1] =	sst s5  }
0xe: {  	[smem:$0x3FB2] =	sst s6  }
0xf: {  	[smem:$0x3FB3] =	sst s7  }
0x10: {  	[smem:$0x3FB4] =	sst s8  }
0x11: {  	[smem:$0x3FB5] =	sst s9;
	s0 =	simm.s32 @!p0 $0x0  }
0x12: {  	s1 =	sld [smem:$0x3F9B];
	s0 =	simm.s32 @p0 $0x1  }
0x13: {  	[smem:$0x3FB6] =	sst s0;
	s0 =	simm.s32 @!p1 $0x0  }
0x14: {  	s2 =	sld [smem:$0x3F9A];
	s0 =	simm.s32 @p1 $0x1  }
0x15: {  	[smem:$0x3FB7] =	sst s0;
	s0 =	simm.s32 @!p2 $0x0  }
0x16: {  	s3 =	sld [smem:$0x3FDB];
	s0 =	simm.s32 @p2 $0x1  }
0x17: {  	s4 =	simm.s32 $0x1BF5;
	[smem:$0x3FB9] =	sst s0  }
0x18: {  	s0 =	sld [smem:$0x3F9C];
	_ =	swait.ge [sflag:s4], $0x0  }
0x19: {  	s7 =	sld [smem:$0x3F9D]  }
0x1a: {  	s8 =	sadd.s32 $0xFFFFE003, lr  }
0x1b: {  	s9 =	sadd.s32 $0xFFFFFEF7, lr;
	s5 =	simm.s32 $0xFFFFFFFF;
	p2 =	slt.u32 s8, $0xFFFFF086  }
0x1c: {  	p1 =	slt.u32 s9, $0xF7A;
	s5 =	simm.s32 @!p2 $0x0  }
0x1d: {  	s5 =	simm.s32 @p1 $0x1;
	p0 =	seq.s32 s7, s2  }
0x1e: {  	s7 =	smul.u32 @!p0 $0xF7A, s2;
	p2 =	seq.s32 @!p0 s5, $0x0  }
0x1f: {  	s9 =	smul.u32 $0xF7A, s1;
	s8 =	simm.s32 @!p0 $0x1BF5;
	p2 =	por !p2, p0  }
0x20: {  	[sflag:s8] =	ssyncset.s32 @!p0 $0xFFFFF086;
	s6 =	sadd.s32 @!p0 s3, s7;
	s7 =	simm.s32 @!p0 $0x108  }
0x21: {  	s3 =	sadd.s32 s3, s9;
	s6 =	sadd.s32 @!p0 $0x88, s6;
	s7 =	simm.s32 @p2 $0x1082  }
0x22: {  	[simem:s7], [sflag:s8] =	dma.local @!p0 [hbm:s6], $0xF7A  }
0x23: {  	s9 =	sor.u32 $0xD0000000, s2;
	s6 =	simm.s32 $0x108;
	_ =	swait.ge @!p0 [sflag:s8], $0x0  }
0x24: {  	s3 =	sadd.s32 $0x88, s3;
	s6 =	simm.s32 @!p1 $0x1082;
	[sflag:s4] =	ssyncset.s32 $0xFFFFF086  }
0x25: {  	[simem:s6], [sflag:s4] =	dma.local [hbm:s3], $0xF7A  }
0x26: {  	[smem:$0x3F9D] =	sst s1;
	(tag) =	ssettag s2;
	_ =	strace s9  }
0x27: {  	s1 =	sld [smem:$0x3FAD]  }
0x28: {  	s2 =	sld [smem:$0x3FAE]  }
0x29: {  	s4 =	sld [smem:$0x3FB0]  }
0x2a: {  	p0 =	seq.s32 s5, $0x0;
	s5 =	sld [smem:$0x3FB1]  }
0x2b: {  	s6 =	sld [smem:$0x3FB2]  }
0x2c: {  	s7 =	sld [smem:$0x3FB3]  }
0x2d: {  	s3 =	simm.s32 $0x108;
	s8 =	sld [smem:$0x3FB4]  }
0x2e: {  	s3 =	simm.s32 @!p0 $0x1082;
	s9 =	sld [smem:$0x3FB5]  }
0x2f: {  	lr =	sadd.s32 s0, s3;
	s0 =	sld [smem:$0x3FAC]  }
0x30: {  	s3 =	sld [smem:$0x3FAF]  }
0x31: {  	[smem:$0x3FB8] =	sst s10  }
0x32: {  	s10 =	sld [smem:$0x3FB6];
	_ =	sdelay $0x3  }
0x33: {  	p0 =	seq.s32 s10, $0x1;
	s10 =	sld [smem:$0x3FB8];
	_ =	sdelay $0x3  }
0x34: {  	[smem:$0x3FB8] =	sst s10  }
0x35: {  	s10 =	sld [smem:$0x3FB7];
	_ =	sdelay $0x3  }
0x36: {  	p1 =	seq.s32 s10, $0x1;
	s10 =	sld [smem:$0x3FB8];
	_ =	sdelay $0x3  }
0x37: {  	[smem:$0x3FB8] =	sst s10  }
0x38: {  	s10 =	sld [smem:$0x3FB9]  }
0x39: {  	_ = 	snop;
	(pc) =	sbr.ind lr, $3  }
0x3a: {  	_ = 	snop  }
0x3b: {  	_ = 	snop  }
0x3c: {  	p2 =	seq.s32 s10, $0x1;
	s10 =	sld [smem:$0x3FB8]  }
0x3d: {  	_ =	shalt  }
0x3e: {  	_ =	shalt  }
0x3f: {  	_ =	shalt  }
0x40: {  	_ =	shalt  }
0x41: {  	_ =	shalt  }
0x42: {  	_ =	shalt  }
0x43: {  	_ =	shalt  }
0x44: {  	_ =	shalt  }
0x45: {  	_ =	shalt  }
0x46: {  	_ =	shalt  }
0x47: {  	_ =	shalt  }
0x48: {  	_ =	shalt  }
0x49: {  	_ =	shalt  }
0x4a: {  	_ =	shalt  }
0x4b: {  	_ =	shalt  }
0x4c: {  	_ =	shalt  }
0x4d: {  	_ =	shalt  }
0x4e: {  	_ =	shalt  }
0x4f: {  	_ =	shalt  }
0x50: {  	_ =	shalt  }
0x51: {  	_ =	shalt  }
0x52: {  	_ =	shalt  }
0x53: {  	_ =	shalt  }
0x54: {  	_ =	shalt  }
0x55: {  	_ =	shalt  }
0x56: {  	_ =	shalt  }
0x57: {  	_ =	shalt  }
0x58: {  	_ =	shalt  }
0x59: {  	_ =	shalt  }
0x5a: {  	_ =	shalt  }
0x5b: {  	_ =	shalt  }
0x5c: {  	_ =	shalt  }
0x5d: {  	_ =	shalt  }
0x5e: {  	_ =	shalt  }
0x5f: {  	_ =	shalt  }
0x60: {  	_ =	shalt  }
0x61: {  	_ =	shalt  }
0x62: {  	_ =	shalt  }
0x63: {  	_ =	shalt  }
0x64: {  	_ =	shalt  }
0x65: {  	_ =	shalt  }
0x66: {  	_ =	shalt  }
0x67: {  	_ =	shalt  }
0x68: {  	_ =	shalt  }
0x69: {  	_ =	shalt  }
0x6a: {  	_ =	shalt  }
0x6b: {  	_ =	shalt  }
0x6c: {  	_ =	shalt  }
0x6d: {  	_ =	shalt  }
0x6e: {  	_ =	shalt  }
0x6f: {  	_ =	shalt  }
0x70: {  	_ =	shalt  }
0x71: {  	_ =	shalt  }
0x72: {  	_ =	shalt  }
0x73: {  	_ =	shalt  }
0x74: {  	_ =	shalt  }
0x75: {  	_ =	shalt  }
0x76: {  	_ =	shalt  }
0x77: {  	_ =	shalt  }
0x78: {  	_ =	shalt  }
0x79: {  	_ =	shalt  }
0x7a: {  	_ =	shalt  }
0x7b: {  	_ =	shalt  }
0x7c: {  	_ =	shalt  }
0x7d: {  	_ =	shalt  }
0x7e: {  	_ =	shalt  }
0x7f: {  	_ =	shalt  }
0x80: {  	_ =	shalt  }
0x81: {  	_ =	shalt  }
0x82: {  	_ =	shalt  }
0x83: {  	_ =	shalt  }
0x84: {  	_ =	shalt  }
0x85: {  	_ =	shalt  }
0x86: {  	_ =	shalt  }
0x87: {  	_ =	shalt  }
.Lfunc_end0:
.L_simem_size_0:
called_computation_lowered:
.L_overlay_start_0:
0x88: {  	s2 =	sld [smem:$0x3FD9]  }
0x89: {  	s3 =	sld [smem:$0x3FFE];
	_ =	sdelay $0x1  }
0x8a: {  	s1 =	srdreg.scid  }
0x8b: {  	s0 =	sand.u32 $0x1, s1  }
0x8c: {  	s17 =	sshll.u32 s0, $0xA;
	s2 =	sadd.s32 s3, s2  }
0x8d: {  	s2 =	sadd.s32 s2, s17  }
0x8e: {  	[smem:$0x3FC4] =	sst s2  }
0x8f: {  	_ = 	snop  }
0x90: {  	s2 =	sld [smem:$0x3FD0];
	(tm) =	ssettm $0x1  }
0x91: {  	s18 =	sld [smem:$0x3FFB];
	_ =	sdelay $0x3  }
0x92: {  	_ =	strace s18  }
0x93: {  	s3 =	sld [smem:$0x3FFC];
	_ =	sdelay $0x3  }
0x94: {  	_ =	strace s3  }
0x95: {  	s3 =	sld [smem:$0x3FFD];
	_ =	sdelay $0x3  }
0x96: {  	_ =	strace s3  }
0x97: {  	_ =	strace $0x8FFFFFFF  }
0x98: {  	s19 =	sld [smem:$0x3FDB];
	_ =	sdelay $0x1  }
0x99: {  	s4 =	simm.s32 $_scs_section_size  }
0x9a: {  	s5 =	simm.s32 $_size__tile_overlayer_lowered;
	s6 =	simm.s32 $_tile_overlayer_lowered  }
0x9b: {  	s22 =	simm.s32 $0x1BFF;
	s21 =	sshll.u32 s6, $0x1;
	s3 =	sadd.s32 s4, s19  }
0x9c: {  	s7 =	simm.s32 $0x0;
	s20 =	sshll.u32 s5, $0x1;
	s5 =	sadd.s32 s21, s3  }
0x9d: {  	[timem:s7], [sflag:s22] =	dma.local [hbm:s5], s20  }
0x9e: {  	_ =	swait.ge [sflag:s22], s20  }
0x9f: {  	s4 =	ssub.s32 $0x0, s20;
	[sflag:s22] =	ssyncset.done $0x0  }
0xa0: {  	[sflag:s22] =	ssyncadd.s32 s4;
	_ =	sdelay $0x1  }
0xa1: {  	s23 =	simm.s32 $0x1B8B  }
0xa2: {  	_ =	swait.ge [sflag:s23], $0x1  }
0xa3: {  	[sflag:s23] =	ssyncset.done $0x0  }
0xa4: {  	s25 =	simm.s32 $0x1B8E;
	s24 =	sld [smem:$0x3FFE];
	[sflag:s23] =	ssyncadd.s32 $0xFFFFFFFF  }
0xa5: {  	s26 =	simm.s32 $execute0_lowered;
	[smem:$0x3FD2] =	sst s25  }
0xa6: {  	s5 =	sshll.u32 s26, $0x1;
	_ =	strace $0x80000046;
	[dreg:$0x1] =	wrdreg $0xFFFFFFFF  }
0xa7: {  	s28 =	simm.s32 $_size_execute0_lowered;
	s3 =	sadd.s32 s3, s5;
	[dreg:$0x0] =	wrdreg $0x0  }
0xa8: {  	s5 =	sshll.u32 s28, $0x1;
	[dreg:$0x2] =	wrdreg s3  }
0xa9: {  	[dreg:$0x3] =	wrdreg s5  }
0xaa: {  	[dreg:$0x4] =	wrdreg $0xC0  }
0xab: {  	_ =	task [dreg:s7], $0x5FFFF  }
0xac: {  	[dreg:$0x1] =	wrdreg $0xFFFFFFFF  }
0xad: {  	[dreg:$0x0] =	wrdreg $0x60  }
0xae: {  	[dreg:$0x2] =	wrdreg s2  }
0xaf: {  	[dreg:$0x3] =	wrdreg s24  }
0xb0: {  	[dreg:$0x4] =	wrdreg $0xB4000  }
0xb1: {  	[dreg:$0x5] =	wrdreg $0x9  }
0xb2: {  	_ =	task.clear_ibuf [dreg:s7], $0x6FFFF;
	_ =	strace $0x90000046  }
0xb3: {  	s29 =	simm.s32 $0x9;
	_ =	strace $0x80000048  }
0xb4: {  	_ =	swait.ge [sflag:s29], $0x1  }
0xb5: {  	[sflag:s29] =	ssyncadd.s32 $0xFFFFFFFF  }
0xb6: {  	_ =	strace $0x90000048  }
0xb7: {  	_ =	sfence  }
0xb8: {  	s30 =	sld [smem:$0x0];
	_ =	sdelay $0x2  }
0xb9: {  	s31 =	sshll.u32 s1, $0xD;
	s1 =	sshrl.u32 s1, $0x2  }
0xba: {  	s3 =	sand.u32 $0x4000, s31;
	s1 =	sadd.s32 s1, s30  }
0xbb: {  	s0 =	sor.u32 s3, s0;
	s1 =	sshll.u32 s1, $0x11  }
0xbc: {  	s0 =	sor.u32 s1, s0  }
0xbd: {  	s0 =	sadd.s32 $0x8F2B, s0  }
0xbe: {  	[sflag:s0] =	ssyncadd.remote.s32 $0x1  }
0xbf: {  	_ =	sfence.sel $0xFFFF  }
0xc0: {  	[dreg:$0x0] =	wrdreg $0xFFFFFFFF;
	(pc) =	sbr.abs _section_cstart, $3  }
0xc1: {  	[dreg:$0x1] =	wrdreg $0xFFFFFFFF  }
0xc2: {  	_ =	task.clear_ibuf [dreg:s7], $0x2FFFF;
	_ =	strace $0x9FFFFFFF  }
0xc3: {  	(tm) =	ssettm $0x7FFFFFFF  }
tec
execute0_lowered:
.L_overlay_start_1:
0x0: {  	(tag) =	ssettag $0x1  }
0x1: {  	s1 =	rddreg [dreg:$0x0]  }
0x2: {  	s0 =	rddreg [dreg:$0x1]  }
0x3: {  	s2 =	rddreg [dreg:$0x2]  }
0x4: {  	s4 =	simm.s32 $0x0;
	s3 =	srdreg.scid;
	s10 =	stileid.u32  }
0x5: {  	s20 =	simm.s32 $0x64;
	s21 =	simm.s32 $0x1800;
	s22 =	simm.s32 $0x80  }
0x6: {  	[smem:$0x7FF] =	sst s4;
	s3 =	sand.u32 $0x1, s3;
	s6 =	smul.u32 $0x14000, s10  }
0x7: {  	s15 =	sadd.s32 $0xF600, s0;
	s16 =	sadd.s32 $0x600, s0;
	s7 =	smul.u32 $0x50000, s10  }
0x8: {  	s9 =	smul.u32 $0x3C00, s10;
	s11 =	sadd.s32 $0x1E600, s0;
	s26 =	sshll.u32 s10, $0x6  }
0x9: {  	s5 =	smul.u32 $0x140000, s3;
	_ =	strace $0x80000047;
	s23 =	ssub.s32 $0x2, s3  }
0xa: {  	s3 =	smul.u32 $0x3C000, s3;
	[dreg:$0x4] =	wrdreg s11;
	s8 =	sshrl.u32 s23, $0x1  }
0xb: {  	s25 =	sshrl.u32 s7, $0x2;
	s5 =	sadd.s32 s6, s5;
	s24 =	ssub.s32 s23, s8  }
0xc: {  	s3 =	sadd.s32 s9, s3;
	s19 =	sadd.s32 s25, s2;
	s6 =	sor.u32 $0x1C02, s26  }
0xd: {  	s23 =	simm.s32 $0x4C00;
	s25 =	simm.s32 $0x2;
	s26 =	simm.s32 $0x0  }
0xe: {  	s5 =	sshrl.u32 s5, $0x3;
	s3 =	sshrl.u32 s3, $0x3;
	s18 =	smax.u32 s24, $0x1  }
0xf: {  	s19 =	sshrl.u32 s19, $0x3;
	s24 =	simm.s32 $0x1;
	s0 =	sadd.s32 s5, s0  }
0x10: {  	s28 =	sadd.s32 s15, s3;
	s29 =	sadd.s32 s16, s3;
	s30 =	sadd.s32 $0x180, s3  }
0x11: {  	s12 =	sadd.s32 $0x300, s3;
	s14 =	sadd.s32 $0x480, s3;
	[dreg:$0x5] =	wrdreg s28  }
0x12: {  	s3 =	sadd.s32 $0x600, s3;
	[dreg:$0x6] =	wrdreg s29;
	s31 =	sadd.s32 s15, s30  }
0x13: {  	s10 =	sadd.s32 s16, s30;
	s11 =	sadd.s32 s15, s12;
	s12 =	sadd.s32 s16, s12  }
0x14: {  	s13 =	sadd.s32 s15, s14;
	s14 =	sadd.s32 s16, s14;
	s15 =	sadd.s32 s15, s3  }
0x15: {  	s16 =	sadd.s32 s16, s3;
	s17 =	sadd.s32 $0x20E00, s0;
	[dreg:$0x7] =	wrdreg s31  }
.LBB2_1:
0x16: {  	s0 =	rddreg [dreg:$0x4]  }
0x17: {  	[spmem:s19], [sflag:s6] =	dma.local [hbm:s0], $0x2800  }
0x18: {  	_ =	swait.ge [sflag:s25], $0x2800  }
0x19: {  	[sflag:s25] =	ssyncset.done $0x0  }
0x1a: {  	[sflag:s25] =	ssyncadd.s32 $0xFFFFD800  }
0x1b: {  	[bflag:$0x0] =	sbarrier.arrive $0xFFFF  }
0x1c: {  	s8 =	rddreg [dreg:$0x5]  }
0x1d: {  	[tilespmem:s4], [sflag:$0x2] =	stream.linear.gather [hbm4b:s8+s4], $0xA00, $0x38;
	[tilespmem:$0x1F400] =	vst v63  }
0x1e: {  	p0 =	por $0x0, $0x0;
	_ =	swait.ge [sflag:s25], $0xA00  }
0x1f: {  	s5 =	simm.s32 $0x0;
	s0 =	simm.s32 $0xC00;
	[sflag:s25] =	ssyncset.done $0x0  }
0x20: {  	s5 =	smul.u32 $0xAB, s5;
	s3 =	rddreg [dreg:$0x6];
	[sflag:s25] =	ssyncadd.s32 $0xFFFFF600  }
0x21: {  	[tilespmem:s0], [sflag:$0x2] =	stream.linear.gather [hbm4b:s3+s4], $0xA00, $0x38;
	[tilespmem:$0x1F400] =	vst v63  }
0x22: {  	s5 =	sshrl.u32 s5, $0x9;
	s3 =	smul.u32 @!p0 $0xAB, s25  }
0x23: {  	s5 =	sand.u32 $0x7F, s5;
	_ =	swait.ge [sflag:s25], $0xA00  }
0x24: {  	s5 =	smul.u32 $0x3, s5;
	[sflag:s25] =	ssyncset.done $0x0;
	s3 =	sshrl.u32 @!p0 s3, $0x9  }
0x25: {  	[sflag:s25] =	ssyncadd.s32 $0xFFFFF600;
	s3 =	sand.u32 @!p0 $0x7F, s3;
	p0 =	por p0, p0  }
0x26: {  	[tilespmem:s21], [sflag:$0x1] =	stream.indirect.gather [hbm4b:s1+s20], $0x80, s4, s20, $0xb8;
	[tilespmem:$0x1F400] =	vst v63  }
0x27: {  	s31 =	simm.s32 $0x1;
	s5 =	ssub.s32 $0x0, s5;
	s3 =	smul.u32 @!p0 $0x3, s3  }
0x28: {  	[tilespmem:s23], [sflag:$0x1] =	stream.indirect.gather [hbm4b:s1+s20], $0x80, s22, s20, $0xb8;
	[tilespmem:$0x1F400] =	vst v63  }
0x29: {  	s7 =	smul.u32 $0xAB, s31;
	s5 =	sand.u32 $0xFF, s5;
	s3 =	ssub.s32 @!p0 $0x2, s3  }
0x2a: {  	s29 =	simm.s32 $0x100;
	s5 =	smul.u32 $0xD000, s5;
	s3 =	sand.u32 @!p0 $0xFF, s3  }
0x2b: {  	s28 =	simm.s32 $0x3;
	p1 =	por $0x0, $0x0;
	s3 =	smul.u32 @!p0 $0xD000, s3  }
0x2c: {  	s8 =	smul.u32 @!p1 $0xAB, s28;
	s5 =	sshrl.u32 s5, $0x2;
	_ =	swait.ge [sflag:s24], $0x3200  }
0x2d: {  	s9 =	sadd.s32 $0x1800, s5;
	[sflag:s24] =	ssyncset.done $0x0;
	s3 =	sshrl.u32 @!p0 s3, $0x2  }
0x2e: {  	s30 =	simm.s32 @!p0 $0x64;
	[sflag:s24] =	ssyncadd.s32 $0xFFFFCE00;
	s3 =	sadd.s32 @!p0 $0x1800, s3  }
0x2f: {  	[tilespmem:s3], [sflag:$0x1] =	stream.indirect.gather @!p0 [hbm4b:s1+s30], $0x80, s29, s30, $0xb8;
	[tilespmem:$0x1F400] =	vst v63  }
0x30: {  	s5 =	sshrl.u32 @!p1 s8, $0x9;
	s29 =	simm.s32 $0xC80;
	s30 =	simm.s32 $0x180  }
0x31: {  	[spmem:s2] =	stream.indirect.scatter.add.f32 [tilespmem:s9], [sflag:$0x2], $0x80, s0, s20, $0xb8;
	[tilespmem:$0x1F400] =	vst v63  }
0x32: {  	s3 =	sshrl.u32 s7, $0x9;
	s0 =	simm.s32 $0x4;
	_ =	swait.ge [sflag:s25], $0x3200  }
.LBB2_2:
0x33: {  	s5 =	sand.u32 @!p1 $0x7F, s5;
	[sflag:s25] =	ssyncset.done $0x0;
	s7 =	smov.u32 s0  }
0x34: {  	s0 =	sadd.s32 $0x1, s0;
	s8 =	smov.u32 s29;
	p2 =	por p1, p1  }
0x35: {  	p0 =	sne.s32 s0, $0x16;
	s5 =	smul.u32 @!p2 $0x3, s5;
	[sflag:s25] =	ssyncadd.s32 $0xFFFFCE00  }
0x36: {  	s3 =	sand.u32 $0x7F, s3  }
0x37: {  	s3 =	smul.u32 $0x3, s3;
	s5 =	ssub.s32 @!p2 s28, s5;
	s28 =	smov.u32 s7  }
0x38: {  	s29 =	sadd.s32 $0x80, s29;
	s5 =	sand.u32 @!p2 $0xFF, s5  }
0x39: {  	s3 =	ssub.s32 s31, s3;
	s7 =	simm.s32 @!p2 $0x64;
	s5 =	smul.u32 @!p2 $0xD000, s5  }
0x3a: {  	s3 =	sand.u32 $0xFF, s3;
	s31 =	sadd.s32 $0xFFFFFFFE, s28;
	_ =	swait.ge [sflag:s24], $0x3200  }
0x3b: {  	s3 =	smul.u32 $0xD000, s3;
	[sflag:s24] =	ssyncset.done $0x0;
	s5 =	sshrl.u32 @!p2 s5, $0x2  }
0x3c: {  	s9 =	smul.u32 $0xAB, s31;
	[sflag:s24] =	ssyncadd.s32 $0xFFFFCE00;
	s5 =	sadd.s32 @!p2 $0x1800, s5  }
.Ltmp0:
0x3d: {  	p1 =	sgt.u32 s31, $0x11;
	s3 =	sshrl.u32 s3, $0x2;
	(pc) =	sbr.rel @p0 .LBB2_2-.Ltmp0, $4  }
0x3e: {  	[tilespmem:s5], [sflag:$0x1] =	stream.indirect.gather @!p2 [hbm4b:s1+s7], $0x80, s30, s7, $0xb8;
	[tilespmem:$0x1F400] =	vst v63  }
0x3f: {  	s3 =	sadd.s32 $0x1800, s3;
	s5 =	smul.u32 @!p1 $0xAB, s28;
	s30 =	sadd.s32 $0x80, s30  }
0x40: {  	[spmem:s2] =	stream.indirect.scatter.add.f32 [tilespmem:s3], [sflag:$0x2], $0x80, s8, s20, $0xb8;
	[tilespmem:$0x1F400] =	vst v63  }
0x41: {  	s3 =	sshrl.u32 s9, $0x9;
	s5 =	sshrl.u32 @!p1 s5, $0x9;
	_ =	swait.ge [sflag:s25], $0x3200  }
0x42: {  	s0 =	sand.u32 @!p1 $0x7F, s5;
	p0 =	por p1, p1  }
0x43: {  	s3 =	sand.u32 $0x7F, s3;
	s0 =	smul.u32 @!p0 $0x3, s0  }
0x44: {  	s3 =	smul.u32 $0x3, s3  }
0x45: {  	s0 =	ssub.s32 @!p0 s28, s0  }
0x46: {  	[sflag:s25] =	ssyncset.done $0x0;
	s3 =	ssub.s32 s31, s3;
	s0 =	sand.u32 @!p0 $0xFF, s0  }
0x47: {  	[sflag:s25] =	ssyncadd.s32 $0xFFFFCE00;
	s3 =	sand.u32 $0xFF, s3;
	s0 =	smul.u32 @!p0 $0xD000, s0  }
0x48: {  	_ =	swait.ge [sflag:s24], $0x3200;
	s3 =	smul.u32 $0xD000, s3  }
0x49: {  	s5 =	simm.s32 @!p0 $0x64;
	[sflag:s24] =	ssyncset.done $0x0;
	s0 =	sshrl.u32 @!p0 s0, $0x2  }
0x4a: {  	[sflag:s24] =	ssyncadd.s32 $0xFFFFCE00;
	s3 =	sshrl.u32 s3, $0x2;
	s0 =	sadd.s32 @!p0 $0x1800, s0  }
0x4b: {  	[tilespmem:s0], [sflag:$0x1] =	stream.indirect.gather @!p0 [hbm4b:s1+s5], $0x80, s30, s5, $0xb8;
	[tilespmem:$0x1F400] =	vst v63  }
0x4c: {  	s3 =	sadd.s32 $0x1800, s3  }
0x4d: {  	[spmem:s2] =	stream.indirect.scatter.add.f32 [tilespmem:s3], [sflag:$0x2], $0x80, s29, s20, $0xb8;
	[tilespmem:$0x1F400] =	vst v63  }
0x4e: {  	_ =	swait.ge [sflag:s25], $0x3200  }
0x4f: {  	[sflag:s25] =	ssyncset.done $0x0  }
0x50: {  	s0 =	simm.s32 $0x2;
	s5 =	rddreg [dreg:$0x7];
	[sflag:s25] =	ssyncadd.s32 $0xFFFFCE00  }
0x51: {  	[tilespmem:s4], [sflag:$0x2] =	stream.linear.gather [hbm4b:s5+s4], $0xA00, $0x38;
	[tilespmem:$0x1F400] =	vst v63  }
0x52: {  	_ =	swait.ge [sflag:s0], $0xA00  }
0x53: {  	s7 =	simm.s32 $0x0;
	[sflag:s0] =	ssyncset.done $0x0  }
0x54: {  	s3 =	simm.s32 $0xC00;
	s5 =	smul.u32 $0xAB, s7;
	[sflag:s0] =	ssyncadd.s32 $0xFFFFF600  }
0x55: {  	[tilespmem:s3], [sflag:$0x2] =	stream.linear.gather [hbm4b:s10+s4], $0xA00, $0x38;
	[tilespmem:$0x1F400] =	vst v63  }
0x56: {  	_ =	swait.ge [sflag:s0], $0xA00  }
0x57: {  	p0 =	por $0x0, $0x0;
	s5 =	sshrl.u32 s5, $0x9;
	[sflag:s0] =	ssyncset.done $0x0  }
0x58: {  	s5 =	sand.u32 $0x7F, s5;
	[sflag:s0] =	ssyncadd.s32 $0xFFFFF600;
	s0 =	smul.u32 @!p0 $0xAB, s0  }
0x59: {  	[tilespmem:s21], [sflag:$0x1] =	stream.indirect.gather [hbm4b:s1+s20], $0x80, s4, s20, $0xb8;
	[tilespmem:$0x1F400] =	vst v63  }
0x5a: {  	s5 =	smul.u32 $0x3, s5;
	s0 =	sshrl.u32 @!p0 s0, $0x9  }
0x5b: {  	s0 =	sand.u32 @!p0 $0x7F, s0;
	p0 =	por p0, p0  }
0x5c: {  	s31 =	simm.s32 $0x1;
	s5 =	ssub.s32 $0x0, s5;
	s0 =	smul.u32 @!p0 $0x3, s0  }
0x5d: {  	[tilespmem:s23], [sflag:$0x1] =	stream.indirect.gather [hbm4b:s1+s20], $0x80, s22, s20, $0xb8;
	[tilespmem:$0x1F400] =	vst v63  }
0x5e: {  	s9 =	smul.u32 $0xAB, s31;
	s5 =	sand.u32 $0xFF, s5;
	s0 =	ssub.s32 @!p0 $0x2, s0  }
0x5f: {  	p1 =	por $0x0, $0x0;
	s5 =	smul.u32 $0xD000, s5;
	s0 =	sand.u32 @!p0 $0xFF, s0  }
0x60: {  	s28 =	simm.s32 $0x3;
	s30 =	simm.s32 $0x180;
	s0 =	smul.u32 @!p0 $0xD000, s0  }
0x61: {  	s29 =	simm.s32 $0xC80;
	s7 =	simm.s32 $0x100;
	_ =	swait.ge [sflag:s24], $0x3200  }
0x62: {  	s5 =	sshrl.u32 s5, $0x2;
	[sflag:s24] =	ssyncset.done $0x0;
	s0 =	sshrl.u32 @!p0 s0, $0x2  }
0x63: {  	s8 =	simm.s32 @!p0 $0x64;
	[sflag:s24] =	ssyncadd.s32 $0xFFFFCE00;
	s0 =	sadd.s32 @!p0 $0x1800, s0  }
0x64: {  	[tilespmem:s0], [sflag:$0x1] =	stream.indirect.gather @!p0 [hbm4b:s1+s8], $0x80, s7, s8, $0xb8;
	[tilespmem:$0x1F400] =	vst v63  }
0x65: {  	s7 =	smul.u32 @!p1 $0xAB, s28;
	s8 =	sadd.s32 $0x1800, s5;
	s0 =	simm.s32 $0x4  }
0x66: {  	[spmem:s2] =	stream.indirect.scatter.add.f32 [tilespmem:s8], [sflag:$0x2], $0x80, s3, s20, $0xb8;
	[tilespmem:$0x1F400] =	vst v63  }
0x67: {  	s3 =	sshrl.u32 s9, $0x9;
	s5 =	sshrl.u32 @!p1 s7, $0x9;
	_ =	swait.ge [sflag:s25], $0x3200  }
.LBB2_4:
0x68: {  	s5 =	sand.u32 @!p1 $0x7F, s5;
	[sflag:s25] =	ssyncset.done $0x0;
	s7 =	smov.u32 s0  }
0x69: {  	s0 =	sadd.s32 $0x1, s0;
	s8 =	smov.u32 s29;
	p2 =	por p1, p1  }
0x6a: {  	p0 =	sne.s32 s0, $0x16;
	s5 =	smul.u32 @!p2 $0x3, s5;
	[sflag:s25] =	ssyncadd.s32 $0xFFFFCE00  }
0x6b: {  	s3 =	sand.u32 $0x7F, s3  }
0x6c: {  	s3 =	smul.u32 $0x3, s3;
	s5 =	ssub.s32 @!p2 s28, s5;
	s28 =	smov.u32 s7  }
0x6d: {  	s29 =	sadd.s32 $0x80, s29;
	s5 =	sand.u32 @!p2 $0xFF, s5  }
0x6e: {  	s3 =	ssub.s32 s31, s3;
	s7 =	simm.s32 @!p2 $0x64;
	s5 =	smul.u32 @!p2 $0xD000, s5  }
0x6f: {  	s3 =	sand.u32 $0xFF, s3;
	s31 =	sadd.s32 $0xFFFFFFFE, s28;
	_ =	swait.ge [sflag:s24], $0x3200  }
0x70: {  	s3 =	smul.u32 $0xD000, s3;
	[sflag:s24] =	ssyncset.done $0x0;
	s5 =	sshrl.u32 @!p2 s5, $0x2  }
0x71: {  	s9 =	smul.u32 $0xAB, s31;
	[sflag:s24] =	ssyncadd.s32 $0xFFFFCE00;
	s5 =	sadd.s32 @!p2 $0x1800, s5  }
.Ltmp1:
0x72: {  	p1 =	sgt.u32 s31, $0x11;
	s3 =	sshrl.u32 s3, $0x2;
	(pc) =	sbr.rel @p0 .LBB2_4-.Ltmp1, $4  }
0x73: {  	[tilespmem:s5], [sflag:$0x1] =	stream.indirect.gather @!p2 [hbm4b:s1+s7], $0x80, s30, s7, $0xb8;
	[tilespmem:$0x1F400] =	vst v63  }
0x74: {  	s3 =	sadd.s32 $0x1800, s3;
	s5 =	smul.u32 @!p1 $0xAB, s28;
	s30 =	sadd.s32 $0x80, s30  }
0x75: {  	[spmem:s2] =	stream.indirect.scatter.add.f32 [tilespmem:s3], [sflag:$0x2], $0x80, s8, s20, $0xb8;
	[tilespmem:$0x1F400] =	vst v63  }
0x76: {  	s3 =	sshrl.u32 s9, $0x9;
	s5 =	sshrl.u32 @!p1 s5, $0x9;
	_ =	swait.ge [sflag:s25], $0x3200  }
0x77: {  	s0 =	sand.u32 @!p1 $0x7F, s5;
	p0 =	por p1, p1  }
0x78: {  	s3 =	sand.u32 $0x7F, s3;
	s0 =	smul.u32 @!p0 $0x3, s0  }
0x79: {  	s3 =	smul.u32 $0x3, s3  }
0x7a: {  	s0 =	ssub.s32 @!p0 s28, s0  }
0x7b: {  	[sflag:s25] =	ssyncset.done $0x0;
	s3 =	ssub.s32 s31, s3;
	s0 =	sand.u32 @!p0 $0xFF, s0  }
0x7c: {  	[sflag:s25] =	ssyncadd.s32 $0xFFFFCE00;
	s3 =	sand.u32 $0xFF, s3;
	s0 =	smul.u32 @!p0 $0xD000, s0  }
0x7d: {  	_ =	swait.ge [sflag:s24], $0x3200;
	s3 =	smul.u32 $0xD000, s3  }
0x7e: {  	s5 =	simm.s32 @!p0 $0x64;
	[sflag:s24] =	ssyncset.done $0x0;
	s0 =	sshrl.u32 @!p0 s0, $0x2  }
0x7f: {  	[sflag:s24] =	ssyncadd.s32 $0xFFFFCE00;
	s3 =	sshrl.u32 s3, $0x2;
	s0 =	sadd.s32 @!p0 $0x1800, s0  }
0x80: {  	[tilespmem:s0], [sflag:$0x1] =	stream.indirect.gather @!p0 [hbm4b:s1+s5], $0x80, s30, s5, $0xb8;
	[tilespmem:$0x1F400] =	vst v63  }
0x81: {  	s5 =	sadd.s32 $0x1800, s3  }
0x82: {  	[spmem:s2] =	stream.indirect.scatter.add.f32 [tilespmem:s5], [sflag:$0x2], $0x80, s29, s20, $0xb8;
	[tilespmem:$0x1F400] =	vst v63  }
0x83: {  	_ =	swait.ge [sflag:s25], $0x3200  }
0x84: {  	[sflag:s25] =	ssyncset.done $0x0  }
0x85: {  	s0 =	simm.s32 $0x2;
	[sflag:s25] =	ssyncadd.s32 $0xFFFFCE00  }
0x86: {  	[tilespmem:s4], [sflag:$0x2] =	stream.linear.gather [hbm4b:s11+s4], $0xA00, $0x38;
	[tilespmem:$0x1F400] =	vst v63  }
0x87: {  	_ =	swait.ge [sflag:s0], $0xA00  }
0x88: {  	s7 =	simm.s32 $0x0;
	[sflag:s0] =	ssyncset.done $0x0  }
0x89: {  	s3 =	simm.s32 $0xC00;
	s5 =	smul.u32 $0xAB, s7;
	[sflag:s0] =	ssyncadd.s32 $0xFFFFF600  }
0x8a: {  	[tilespmem:s3], [sflag:$0x2] =	stream.linear.gather [hbm4b:s12+s4], $0xA00, $0x38;
	[tilespmem:$0x1F400] =	vst v63  }
0x8b: {  	_ =	swait.ge [sflag:s0], $0xA00  }
0x8c: {  	p0 =	por $0x0, $0x0;
	s5 =	sshrl.u32 s5, $0x9;
	[sflag:s0] =	ssyncset.done $0x0  }
0x8d: {  	s5 =	sand.u32 $0x7F, s5;
	[sflag:s0] =	ssyncadd.s32 $0xFFFFF600;
	s0 =	smul.u32 @!p0 $0xAB, s0  }
0x8e: {  	[tilespmem:s21], [sflag:$0x1] =	stream.indirect.gather [hbm4b:s1+s20], $0x80, s4, s20, $0xb8;
	[tilespmem:$0x1F400] =	vst v63  }
0x8f: {  	s5 =	smul.u32 $0x3, s5;
	s0 =	sshrl.u32 @!p0 s0, $0x9  }
0x90: {  	s0 =	sand.u32 @!p0 $0x7F, s0;
	p0 =	por p0, p0  }
0x91: {  	s31 =	simm.s32 $0x1;
	s5 =	ssub.s32 $0x0, s5;
	s0 =	smul.u32 @!p0 $0x3, s0  }
0x92: {  	[tilespmem:s23], [sflag:$0x1] =	stream.indirect.gather [hbm4b:s1+s20], $0x80, s22, s20, $0xb8;
	[tilespmem:$0x1F400] =	vst v63  }
0x93: {  	s9 =	smul.u32 $0xAB, s31;
	s5 =	sand.u32 $0xFF, s5;
	s0 =	ssub.s32 @!p0 $0x2, s0  }
0x94: {  	p1 =	por $0x0, $0x0;
	s5 =	smul.u32 $0xD000, s5;
	s0 =	sand.u32 @!p0 $0xFF, s0  }
0x95: {  	s28 =	simm.s32 $0x3;
	s30 =	simm.s32 $0x180;
	s0 =	smul.u32 @!p0 $0xD000, s0  }
0x96: {  	s7 =	simm.s32 $0x100;
	s29 =	simm.s32 $0xC80;
	_ =	swait.ge [sflag:s24], $0x3200  }
0x97: {  	s5 =	sshrl.u32 s5, $0x2;
	[sflag:s24] =	ssyncset.done $0x0;
	s0 =	sshrl.u32 @!p0 s0, $0x2  }
0x98: {  	s8 =	simm.s32 @!p0 $0x64;
	[sflag:s24] =	ssyncadd.s32 $0xFFFFCE00;
	s0 =	sadd.s32 @!p0 $0x1800, s0  }
0x99: {  	[tilespmem:s0], [sflag:$0x1] =	stream.indirect.gather @!p0 [hbm4b:s1+s8], $0x80, s7, s8, $0xb8;
	[tilespmem:$0x1F400] =	vst v63  }
0x9a: {  	s7 =	smul.u32 @!p1 $0xAB, s28;
	s8 =	sadd.s32 $0x1800, s5;
	s0 =	simm.s32 $0x4  }
0x9b: {  	[spmem:s2] =	stream.indirect.scatter.add.f32 [tilespmem:s8], [sflag:$0x2], $0x80, s3, s20, $0xb8;
	[tilespmem:$0x1F400] =	vst v63  }
0x9c: {  	s3 =	sshrl.u32 s9, $0x9;
	s5 =	sshrl.u32 @!p1 s7, $0x9;
	_ =	swait.ge [sflag:s25], $0x3200  }
.LBB2_6:
0x9d: {  	s5 =	sand.u32 @!p1 $0x7F, s5;
	[sflag:s25] =	ssyncset.done $0x0;
	s7 =	smov.u32 s0  }
0x9e: {  	s0 =	sadd.s32 $0x1, s0;
	s8 =	smov.u32 s29;
	p2 =	por p1, p1  }
0x9f: {  	p0 =	sne.s32 s0, $0x16;
	s5 =	smul.u32 @!p2 $0x3, s5;
	[sflag:s25] =	ssyncadd.s32 $0xFFFFCE00  }
0xa0: {  	s3 =	sand.u32 $0x7F, s3  }
0xa1: {  	s3 =	smul.u32 $0x3, s3;
	s5 =	ssub.s32 @!p2 s28, s5;
	s28 =	smov.u32 s7  }
0xa2: {  	s29 =	sadd.s32 $0x80, s29;
	s5 =	sand.u32 @!p2 $0xFF, s5  }
0xa3: {  	s3 =	ssub.s32 s31, s3;
	s7 =	simm.s32 @!p2 $0x64;
	s5 =	smul.u32 @!p2 $0xD000, s5  }
0xa4: {  	s3 =	sand.u32 $0xFF, s3;
	s31 =	sadd.s32 $0xFFFFFFFE, s28;
	_ =	swait.ge [sflag:s24], $0x3200  }
0xa5: {  	s3 =	smul.u32 $0xD000, s3;
	[sflag:s24] =	ssyncset.done $0x0;
	s5 =	sshrl.u32 @!p2 s5, $0x2  }
0xa6: {  	s9 =	smul.u32 $0xAB, s31;
	[sflag:s24] =	ssyncadd.s32 $0xFFFFCE00;
	s5 =	sadd.s32 @!p2 $0x1800, s5  }
.Ltmp2:
0xa7: {  	p1 =	sgt.u32 s31, $0x11;
	s3 =	sshrl.u32 s3, $0x2;
	(pc) =	sbr.rel @p0 .LBB2_6-.Ltmp2, $4  }
0xa8: {  	[tilespmem:s5], [sflag:$0x1] =	stream.indirect.gather @!p2 [hbm4b:s1+s7], $0x80, s30, s7, $0xb8;
	[tilespmem:$0x1F400] =	vst v63  }
0xa9: {  	s3 =	sadd.s32 $0x1800, s3;
	s5 =	smul.u32 @!p1 $0xAB, s28;
	s30 =	sadd.s32 $0x80, s30  }
0xaa: {  	[spmem:s2] =	stream.indirect.scatter.add.f32 [tilespmem:s3], [sflag:$0x2], $0x80, s8, s20, $0xb8;
	[tilespmem:$0x1F400] =	vst v63  }
0xab: {  	s3 =	sshrl.u32 s9, $0x9;
	s5 =	sshrl.u32 @!p1 s5, $0x9;
	_ =	swait.ge [sflag:s25], $0x3200  }
0xac: {  	s0 =	sand.u32 @!p1 $0x7F, s5;
	p0 =	por p1, p1  }
0xad: {  	s3 =	sand.u32 $0x7F, s3;
	s0 =	smul.u32 @!p0 $0x3, s0  }
0xae: {  	s3 =	smul.u32 $0x3, s3  }
0xaf: {  	s0 =	ssub.s32 @!p0 s28, s0  }
0xb0: {  	[sflag:s25] =	ssyncset.done $0x0;
	s3 =	ssub.s32 s31, s3;
	s0 =	sand.u32 @!p0 $0xFF, s0  }
0xb1: {  	[sflag:s25] =	ssyncadd.s32 $0xFFFFCE00;
	s3 =	sand.u32 $0xFF, s3;
	s0 =	smul.u32 @!p0 $0xD000, s0  }
0xb2: {  	_ =	swait.ge [sflag:s24], $0x3200;
	s3 =	smul.u32 $0xD000, s3  }
0xb3: {  	s5 =	simm.s32 @!p0 $0x64;
	[sflag:s24] =	ssyncset.done $0x0;
	s0 =	sshrl.u32 @!p0 s0, $0x2  }
0xb4: {  	[sflag:s24] =	ssyncadd.s32 $0xFFFFCE00;
	s3 =	sshrl.u32 s3, $0x2;
	s0 =	sadd.s32 @!p0 $0x1800, s0  }
0xb5: {  	[tilespmem:s0], [sflag:$0x1] =	stream.indirect.gather @!p0 [hbm4b:s1+s5], $0x80, s30, s5, $0xb8;
	[tilespmem:$0x1F400] =	vst v63  }
0xb6: {  	s5 =	sadd.s32 $0x1800, s3  }
0xb7: {  	[spmem:s2] =	stream.indirect.scatter.add.f32 [tilespmem:s5], [sflag:$0x2], $0x80, s29, s20, $0xb8;
	[tilespmem:$0x1F400] =	vst v63  }
0xb8: {  	_ =	swait.ge [sflag:s25], $0x3200  }
0xb9: {  	[sflag:s25] =	ssyncset.done $0x0  }
0xba: {  	s0 =	simm.s32 $0x2;
	[sflag:s25] =	ssyncadd.s32 $0xFFFFCE00  }
0xbb: {  	[tilespmem:s4], [sflag:$0x2] =	stream.linear.gather [hbm4b:s13+s4], $0xA00, $0x38;
	[tilespmem:$0x1F400] =	vst v63  }
0xbc: {  	_ =	swait.ge [sflag:s0], $0xA00  }
0xbd: {  	s7 =	simm.s32 $0x0;
	[sflag:s0] =	ssyncset.done $0x0  }
0xbe: {  	s3 =	simm.s32 $0xC00;
	s5 =	smul.u32 $0xAB, s7;
	[sflag:s0] =	ssyncadd.s32 $0xFFFFF600  }
0xbf: {  	[tilespmem:s3], [sflag:$0x2] =	stream.linear.gather [hbm4b:s14+s4], $0xA00, $0x38;
	[tilespmem:$0x1F400] =	vst v63  }
0xc0: {  	_ =	swait.ge [sflag:s0], $0xA00  }
0xc1: {  	p0 =	por $0x0, $0x0;
	s5 =	sshrl.u32 s5, $0x9;
	[sflag:s0] =	ssyncset.done $0x0  }
0xc2: {  	s5 =	sand.u32 $0x7F, s5;
	[sflag:s0] =	ssyncadd.s32 $0xFFFFF600;
	s0 =	smul.u32 @!p0 $0xAB, s0  }
0xc3: {  	[tilespmem:s21], [sflag:$0x1] =	stream.indirect.gather [hbm4b:s1+s20], $0x80, s4, s20, $0xb8;
	[tilespmem:$0x1F400] =	vst v63  }
0xc4: {  	s5 =	smul.u32 $0x3, s5;
	s0 =	sshrl.u32 @!p0 s0, $0x9  }
0xc5: {  	s0 =	sand.u32 @!p0 $0x7F, s0;
	p0 =	por p0, p0  }
0xc6: {  	s31 =	simm.s32 $0x1;
	s5 =	ssub.s32 $0x0, s5;
	s0 =	smul.u32 @!p0 $0x3, s0  }
0xc7: {  	[tilespmem:s23], [sflag:$0x1] =	stream.indirect.gather [hbm4b:s1+s20], $0x80, s22, s20, $0xb8;
	[tilespmem:$0x1F400] =	vst v63  }
0xc8: {  	s9 =	smul.u32 $0xAB, s31;
	s5 =	sand.u32 $0xFF, s5;
	s0 =	ssub.s32 @!p0 $0x2, s0  }
0xc9: {  	p1 =	por $0x0, $0x0;
	s5 =	smul.u32 $0xD000, s5;
	s0 =	sand.u32 @!p0 $0xFF, s0  }
0xca: {  	s28 =	simm.s32 $0x3;
	s30 =	simm.s32 $0x180;
	s0 =	smul.u32 @!p0 $0xD000, s0  }
0xcb: {  	s7 =	simm.s32 $0x100;
	s29 =	simm.s32 $0xC80;
	_ =	swait.ge [sflag:s24], $0x3200  }
0xcc: {  	s5 =	sshrl.u32 s5, $0x2;
	[sflag:s24] =	ssyncset.done $0x0;
	s0 =	sshrl.u32 @!p0 s0, $0x2  }
0xcd: {  	s8 =	simm.s32 @!p0 $0x64;
	[sflag:s24] =	ssyncadd.s32 $0xFFFFCE00;
	s0 =	sadd.s32 @!p0 $0x1800, s0  }
0xce: {  	[tilespmem:s0], [sflag:$0x1] =	stream.indirect.gather @!p0 [hbm4b:s1+s8], $0x80, s7, s8, $0xb8;
	[tilespmem:$0x1F400] =	vst v63  }
0xcf: {  	s7 =	smul.u32 @!p1 $0xAB, s28;
	s8 =	sadd.s32 $0x1800, s5;
	s0 =	simm.s32 $0x4  }
0xd0: {  	[spmem:s2] =	stream.indirect.scatter.add.f32 [tilespmem:s8], [sflag:$0x2], $0x80, s3, s20, $0xb8;
	[tilespmem:$0x1F400] =	vst v63  }
0xd1: {  	s3 =	sshrl.u32 s9, $0x9;
	s5 =	sshrl.u32 @!p1 s7, $0x9;
	_ =	swait.ge [sflag:s25], $0x3200  }
.LBB2_8:
0xd2: {  	s5 =	sand.u32 @!p1 $0x7F, s5;
	[sflag:s25] =	ssyncset.done $0x0;
	s7 =	smov.u32 s0  }
0xd3: {  	s0 =	sadd.s32 $0x1, s0;
	s8 =	smov.u32 s29;
	p2 =	por p1, p1  }
0xd4: {  	p0 =	sne.s32 s0, $0x16;
	s5 =	smul.u32 @!p2 $0x3, s5;
	[sflag:s25] =	ssyncadd.s32 $0xFFFFCE00  }
0xd5: {  	s3 =	sand.u32 $0x7F, s3  }
0xd6: {  	s3 =	smul.u32 $0x3, s3;
	s5 =	ssub.s32 @!p2 s28, s5;
	s28 =	smov.u32 s7  }
0xd7: {  	s29 =	sadd.s32 $0x80, s29;
	s5 =	sand.u32 @!p2 $0xFF, s5  }
0xd8: {  	s3 =	ssub.s32 s31, s3;
	s7 =	simm.s32 @!p2 $0x64;
	s5 =	smul.u32 @!p2 $0xD000, s5  }
0xd9: {  	s3 =	sand.u32 $0xFF, s3;
	s31 =	sadd.s32 $0xFFFFFFFE, s28;
	_ =	swait.ge [sflag:s24], $0x3200  }
0xda: {  	s3 =	smul.u32 $0xD000, s3;
	[sflag:s24] =	ssyncset.done $0x0;
	s5 =	sshrl.u32 @!p2 s5, $0x2  }
0xdb: {  	s9 =	smul.u32 $0xAB, s31;
	[sflag:s24] =	ssyncadd.s32 $0xFFFFCE00;
	s5 =	sadd.s32 @!p2 $0x1800, s5  }
.Ltmp3:
0xdc: {  	p1 =	sgt.u32 s31, $0x11;
	s3 =	sshrl.u32 s3, $0x2;
	(pc) =	sbr.rel @p0 .LBB2_8-.Ltmp3, $4  }
0xdd: {  	[tilespmem:s5], [sflag:$0x1] =	stream.indirect.gather @!p2 [hbm4b:s1+s7], $0x80, s30, s7, $0xb8;
	[tilespmem:$0x1F400] =	vst v63  }
0xde: {  	s3 =	sadd.s32 $0x1800, s3;
	s5 =	smul.u32 @!p1 $0xAB, s28;
	s30 =	sadd.s32 $0x80, s30  }
0xdf: {  	[spmem:s2] =	stream.indirect.scatter.add.f32 [tilespmem:s3], [sflag:$0x2], $0x80, s8, s20, $0xb8;
	[tilespmem:$0x1F400] =	vst v63  }
0xe0: {  	s3 =	sshrl.u32 s9, $0x9;
	s5 =	sshrl.u32 @!p1 s5, $0x9;
	_ =	swait.ge [sflag:s25], $0x3200  }
0xe1: {  	s0 =	sand.u32 @!p1 $0x7F, s5;
	p0 =	por p1, p1  }
0xe2: {  	s3 =	sand.u32 $0x7F, s3;
	s0 =	smul.u32 @!p0 $0x3, s0  }
0xe3: {  	s3 =	smul.u32 $0x3, s3  }
0xe4: {  	s0 =	ssub.s32 @!p0 s28, s0  }
0xe5: {  	[sflag:s25] =	ssyncset.done $0x0;
	s3 =	ssub.s32 s31, s3;
	s0 =	sand.u32 @!p0 $0xFF, s0  }
0xe6: {  	[sflag:s25] =	ssyncadd.s32 $0xFFFFCE00;
	s3 =	sand.u32 $0xFF, s3;
	s0 =	smul.u32 @!p0 $0xD000, s0  }
0xe7: {  	_ =	swait.ge [sflag:s24], $0x3200;
	s3 =	smul.u32 $0xD000, s3  }
0xe8: {  	s5 =	simm.s32 @!p0 $0x64;
	[sflag:s24] =	ssyncset.done $0x0;
	s0 =	sshrl.u32 @!p0 s0, $0x2  }
0xe9: {  	[sflag:s24] =	ssyncadd.s32 $0xFFFFCE00;
	s3 =	sshrl.u32 s3, $0x2;
	s0 =	sadd.s32 @!p0 $0x1800, s0  }
0xea: {  	[tilespmem:s0], [sflag:$0x1] =	stream.indirect.gather @!p0 [hbm4b:s1+s5], $0x80, s30, s5, $0xb8;
	[tilespmem:$0x1F400] =	vst v63  }
0xeb: {  	s5 =	sadd.s32 $0x1800, s3  }
0xec: {  	[spmem:s2] =	stream.indirect.scatter.add.f32 [tilespmem:s5], [sflag:$0x2], $0x80, s29, s20, $0xb8;
	[tilespmem:$0x1F400] =	vst v63  }
0xed: {  	_ =	swait.ge [sflag:s25], $0x3200  }
0xee: {  	[sflag:s25] =	ssyncset.done $0x0  }
0xef: {  	s0 =	simm.s32 $0x2;
	[sflag:s25] =	ssyncadd.s32 $0xFFFFCE00  }
0xf0: {  	[tilespmem:s4], [sflag:$0x2] =	stream.linear.gather [hbm4b:s15+s4], $0xA00, $0x38;
	[tilespmem:$0x1F400] =	vst v63  }
0xf1: {  	_ =	swait.ge [sflag:s0], $0xA00  }
0xf2: {  	s7 =	simm.s32 $0x0;
	[sflag:s0] =	ssyncset.done $0x0  }
0xf3: {  	s3 =	simm.s32 $0xC00;
	s5 =	smul.u32 $0xAB, s7;
	[sflag:s0] =	ssyncadd.s32 $0xFFFFF600  }
0xf4: {  	[tilespmem:s3], [sflag:$0x2] =	stream.linear.gather [hbm4b:s16+s4], $0xA00, $0x38;
	[tilespmem:$0x1F400] =	vst v63  }
0xf5: {  	_ =	swait.ge [sflag:s0], $0xA00  }
0xf6: {  	p0 =	por $0x0, $0x0;
	s5 =	sshrl.u32 s5, $0x9;
	[sflag:s0] =	ssyncset.done $0x0  }
0xf7: {  	s5 =	sand.u32 $0x7F, s5;
	[sflag:s0] =	ssyncadd.s32 $0xFFFFF600;
	s0 =	smul.u32 @!p0 $0xAB, s0  }
0xf8: {  	[tilespmem:s21], [sflag:$0x1] =	stream.indirect.gather [hbm4b:s1+s20], $0x80, s4, s20, $0xb8;
	[tilespmem:$0x1F400] =	vst v63  }
0xf9: {  	s5 =	smul.u32 $0x3, s5;
	s0 =	sshrl.u32 @!p0 s0, $0x9  }
0xfa: {  	s0 =	sand.u32 @!p0 $0x7F, s0;
	p0 =	por p0, p0  }
0xfb: {  	s31 =	simm.s32 $0x1;
	s5 =	ssub.s32 $0x0, s5;
	s0 =	smul.u32 @!p0 $0x3, s0  }
0xfc: {  	[tilespmem:s23], [sflag:$0x1] =	stream.indirect.gather [hbm4b:s1+s20], $0x80, s22, s20, $0xb8;
	[tilespmem:$0x1F400] =	vst v63  }
0xfd: {  	s9 =	smul.u32 $0xAB, s31;
	s5 =	sand.u32 $0xFF, s5;
	s0 =	ssub.s32 @!p0 $0x2, s0  }
0xfe: {  	p1 =	por $0x0, $0x0;
	s5 =	smul.u32 $0xD000, s5;
	s0 =	sand.u32 @!p0 $0xFF, s0  }
0xff: {  	s28 =	simm.s32 $0x3;
	s30 =	simm.s32 $0x180;
	s0 =	smul.u32 @!p0 $0xD000, s0  }
0x100: {  	s7 =	simm.s32 $0x100;
	s29 =	simm.s32 $0xC80;
	_ =	swait.ge [sflag:s24], $0x3200  }
0x101: {  	s5 =	sshrl.u32 s5, $0x2;
	[sflag:s24] =	ssyncset.done $0x0;
	s0 =	sshrl.u32 @!p0 s0, $0x2  }
0x102: {  	s8 =	simm.s32 @!p0 $0x64;
	[sflag:s24] =	ssyncadd.s32 $0xFFFFCE00;
	s0 =	sadd.s32 @!p0 $0x1800, s0  }
0x103: {  	[tilespmem:s0], [sflag:$0x1] =	stream.indirect.gather @!p0 [hbm4b:s1+s8], $0x80, s7, s8, $0xb8;
	[tilespmem:$0x1F400] =	vst v63  }
0x104: {  	s7 =	smul.u32 @!p1 $0xAB, s28;
	s8 =	sadd.s32 $0x1800, s5;
	s0 =	simm.s32 $0x4  }
0x105: {  	[spmem:s2] =	stream.indirect.scatter.add.f32 [tilespmem:s8], [sflag:$0x2], $0x80, s3, s20, $0xb8;
	[tilespmem:$0x1F400] =	vst v63  }
0x106: {  	s3 =	sshrl.u32 s9, $0x9;
	s5 =	sshrl.u32 @!p1 s7, $0x9;
	_ =	swait.ge [sflag:s25], $0x3200  }
.LBB2_10:
0x107: {  	s5 =	sand.u32 @!p1 $0x7F, s5;
	[sflag:s25] =	ssyncset.done $0x0;
	s7 =	smov.u32 s0  }
0x108: {  	s0 =	sadd.s32 $0x1, s0;
	s8 =	smov.u32 s29;
	p2 =	por p1, p1  }
0x109: {  	p0 =	sne.s32 s0, $0x16;
	s5 =	smul.u32 @!p2 $0x3, s5;
	[sflag:s25] =	ssyncadd.s32 $0xFFFFCE00  }
0x10a: {  	s3 =	sand.u32 $0x7F, s3  }
0x10b: {  	s3 =	smul.u32 $0x3, s3;
	s5 =	ssub.s32 @!p2 s28, s5;
	s28 =	smov.u32 s7  }
0x10c: {  	s29 =	sadd.s32 $0x80, s29;
	s5 =	sand.u32 @!p2 $0xFF, s5  }
0x10d: {  	s3 =	ssub.s32 s31, s3;
	s7 =	simm.s32 @!p2 $0x64;
	s5 =	smul.u32 @!p2 $0xD000, s5  }
0x10e: {  	s3 =	sand.u32 $0xFF, s3;
	s31 =	sadd.s32 $0xFFFFFFFE, s28;
	_ =	swait.ge [sflag:s24], $0x3200  }
0x10f: {  	s3 =	smul.u32 $0xD000, s3;
	[sflag:s24] =	ssyncset.done $0x0;
	s5 =	sshrl.u32 @!p2 s5, $0x2  }
0x110: {  	s9 =	smul.u32 $0xAB, s31;
	[sflag:s24] =	ssyncadd.s32 $0xFFFFCE00;
	s5 =	sadd.s32 @!p2 $0x1800, s5  }
.Ltmp4:
0x111: {  	p1 =	sgt.u32 s31, $0x11;
	s3 =	sshrl.u32 s3, $0x2;
	(pc) =	sbr.rel @p0 .LBB2_10-.Ltmp4, $4  }
0x112: {  	[tilespmem:s5], [sflag:$0x1] =	stream.indirect.gather @!p2 [hbm4b:s1+s7], $0x80, s30, s7, $0xb8;
	[tilespmem:$0x1F400] =	vst v63  }
0x113: {  	s3 =	sadd.s32 $0x1800, s3;
	s5 =	smul.u32 @!p1 $0xAB, s28;
	s30 =	sadd.s32 $0x80, s30  }
0x114: {  	[spmem:s2] =	stream.indirect.scatter.add.f32 [tilespmem:s3], [sflag:$0x2], $0x80, s8, s20, $0xb8;
	[tilespmem:$0x1F400] =	vst v63  }
0x115: {  	s3 =	sshrl.u32 s9, $0x9;
	s5 =	sshrl.u32 @!p1 s5, $0x9;
	_ =	swait.ge [sflag:s25], $0x3200  }
0x116: {  	s0 =	sand.u32 @!p1 $0x7F, s5;
	p0 =	por p1, p1  }
0x117: {  	s3 =	sand.u32 $0x7F, s3;
	s0 =	smul.u32 @!p0 $0x3, s0  }
0x118: {  	s3 =	smul.u32 $0x3, s3  }
0x119: {  	s0 =	ssub.s32 @!p0 s28, s0  }
0x11a: {  	[sflag:s25] =	ssyncset.done $0x0;
	s3 =	ssub.s32 s31, s3;
	s0 =	sand.u32 @!p0 $0xFF, s0  }
0x11b: {  	[sflag:s25] =	ssyncadd.s32 $0xFFFFCE00;
	s3 =	sand.u32 $0xFF, s3;
	s0 =	smul.u32 @!p0 $0xD000, s0  }
0x11c: {  	_ =	swait.ge [sflag:s24], $0x3200;
	s3 =	smul.u32 $0xD000, s3  }
0x11d: {  	s5 =	simm.s32 @!p0 $0x64;
	[sflag:s24] =	ssyncset.done $0x0;
	s0 =	sshrl.u32 @!p0 s0, $0x2  }
0x11e: {  	[sflag:s24] =	ssyncadd.s32 $0xFFFFCE00;
	s3 =	sshrl.u32 s3, $0x2;
	s0 =	sadd.s32 @!p0 $0x1800, s0  }
0x11f: {  	[tilespmem:s0], [sflag:$0x1] =	stream.indirect.gather @!p0 [hbm4b:s1+s5], $0x80, s30, s5, $0xb8;
	[tilespmem:$0x1F400] =	vst v63  }
0x120: {  	s31 =	sadd.s32 $0x1800, s3  }
0x121: {  	[spmem:s2] =	stream.indirect.scatter.add.f32 [tilespmem:s31], [sflag:$0x2], $0x80, s29, s20, $0xb8;
	[tilespmem:$0x1F400] =	vst v63  }
0x122: {  	_ =	swait.ge [sflag:s25], $0x3200  }
0x123: {  	s26 =	sadd.s32 $0x1, s26;
	[sflag:s25] =	ssyncset.done $0x0  }
0x124: {  	p0 =	sne.s32 s26, s18;
	[sflag:s25] =	ssyncadd.s32 $0xFFFFCE00  }
.Ltmp5:
0x125: {  	[bflag:$0x0] =	sbarrier.arrive $0xFFFF;
	(pc) =	sbr.rel @p0 .LBB2_1-.Ltmp5, $4  }
0x126: {  	[hbm:s17], [sflag:s6] =	dma.local [spmem:s19], $0x2800  }
0x127: {  	_ =	swait.ge [sflag:s25], $0x2800  }
0x128: {  	[sflag:s25] =	ssyncset.done $0x0  }
0x129: {  	[sflag:s25] =	ssyncadd.s32 $0xFFFFD800  }
0x12a: {  	_ =	sfence.sel $0x180000  }
0x12b: {  	[bflag:$0x0] =	sbarrier.arrive $0xFFFF  }
0x12c: {  	_ =	strace $0x90000047  }
0x12d: {  	s0 =	stileid.u32;
	[bflag:$0x2] =	sbarrier.arrive $0xFFFF  }
0x12e: {  	p0 =	sne.s32 s0, $0x0;
	s0 =	rddreg [dreg:$0x3]  }
0x12f: {  	s0 =	sadd.s32 @!p0 $0x100000, s0  }
0x130: {  	[sflag:s0] =	ssyncadd.tile.s32 @!p0 $0x1;
	_ =	shalt  }
.Lfunc_end2:
_tile_overlayer_lowered:
.L_overlay_start_2:
0x131: {  	(tag) =	ssettag $0x2  }
0x132: {  	s0 =	rddreg [dreg:$0x0];
	s2 =	stileid.u32  }
0x133: {  	s1 =	rddreg [dreg:$0x1];
	p0 =	sne.s32 s2, $0x0  }
0x134: {  	s3 =	rddreg [dreg:$0x2];
	[bflag:$0x3] =	sbarrier.arrive $0xFFFF;
	s2 =	simm.s32 @!p0 $0x1C02  }
0x135: {  	[timem:s3], [sflag:s2] =	dma.local @!p0 [hbm:s0], s1  }
0x136: {  	s0 =	simm.s32 @!p0 $0x2  }
0x137: {  	_ =	swait.ge @!p0 [sflag:s0], s1  }
0x138: {  	s1 =	ssub.s32 @!p0 $0x0, s1;
	[sflag:s0] =	ssyncset.done @!p0 $0x0  }
0x139: {  	[sflag:s0] =	ssyncadd.s32 @!p0 s1  }
0x13a: {  	[bflag:$0x3] =	sbarrier.arrive $0xFFFF  }
0x13b: {  	_ =	shalt  }

</sc_bundles>
